<compile_context>
chip_gen: v7x
topology: tpu7x:2x2x1
jax: 0.10.2.dev20260603
libtpu: 0.0.44.dev20260713+nightly
codegen_flags: <defaults>
</compile_context>

<pallas_src>
import jax
import jax.numpy as jnp
from jax import lax
from jax.experimental import pallas as pl
from jax.experimental.pallas import tpu as pltpu
from jax.experimental.pallas import tpu_sc as plsc

NB = 1_600_000
NA = 100_000
D = 32
NC = 2
NS = 16
NW = NC * NS
EROWS = NB // 4

GCHUNK = 2000
BONDS_PER_W = NB // NW
GCHUNKS = BONDS_PER_W // GCHUNK


def _gather_body(atoms_hbm, idx1_hbm, idx2_hbm, a1_hbm, a2_hbm,
                 idx_v, rows_v, sem):
    c = lax.axis_index("c")
    s = lax.axis_index("s")
    wid = s * NC + c
    base = wid * BONDS_PER_W

    def chunk(j, carry):
        off = base + j * GCHUNK
        pltpu.sync_copy(idx1_hbm.at[pl.ds(off, GCHUNK)], idx_v)
        pltpu.async_copy(atoms_hbm.at[idx_v], rows_v, sem).wait()
        pltpu.sync_copy(rows_v, a1_hbm.at[pl.ds(off, GCHUNK)])
        pltpu.sync_copy(idx2_hbm.at[pl.ds(off, GCHUNK)], idx_v)
        pltpu.async_copy(atoms_hbm.at[idx_v], rows_v, sem).wait()
        pltpu.sync_copy(rows_v, a2_hbm.at[pl.ds(off, GCHUNK)])
        return carry

    lax.fori_loop(0, GCHUNKS, chunk, 0)


def _sc_gather(atoms, idx1, idx2):
    mesh = plsc.VectorSubcoreMesh(core_axis_name="c", subcore_axis_name="s")
    f = pl.kernel(
        _gather_body,
        out_type=[jax.ShapeDtypeStruct((NB, D), jnp.float32),
                  jax.ShapeDtypeStruct((NB, D), jnp.float32)],
        mesh=mesh,
        compiler_params=pltpu.CompilerParams(use_tc_tiling_on_sc=False),
        scratch_types=[pltpu.VMEM((GCHUNK,), jnp.int32),
                       pltpu.VMEM((GCHUNK, D), jnp.float32),
                       pltpu.SemaphoreType.DMA],
    )
    return f(atoms, idx1, idx2)


ATOMS_PER_SC = NA // NC
ACC_ROWS = 50048
STRIPE = ACC_ROWS // NS
LAST_STRIPE = ATOMS_PER_SC - (NS - 1) * STRIPE
SCHUNK = 400
BONDS_PER_T = NB // NS
SCHUNKS = BONDS_PER_T // SCHUNK
VGRP = SCHUNK // 16


def _scatter_body(bnew_hbm, idx_hbm, seg_hbm, cnt_hbm,
                  idx_a, idx_b, lidx_v, rows_a, rows_b, ones_v,
                  feat_acc, cnt_acc, sia, sra, sib, srb):
    c = lax.axis_index("c")
    s = lax.axis_index("s")
    lo = c * ATOMS_PER_SC

    def zrow(i, carry):
        rows_a[i, pl.ds(0, 16)] = jnp.zeros((16,), jnp.float32)
        rows_a[i, pl.ds(16, 16)] = jnp.zeros((16,), jnp.float32)
        return carry

    lax.fori_loop(0, SCHUNK, zrow, 0)

    def zone(q, carry):
        ones_v[pl.ds(q * 16, 16)] = jnp.zeros((16,), jnp.float32)
        return carry

    lax.fori_loop(0, VGRP, zone, 0)

    nfull = STRIPE // SCHUNK
    rem = STRIPE - nfull * SCHUNK

    def zcopy(k, carry):
        pltpu.sync_copy(rows_a,
                        feat_acc.at[pl.ds(s * STRIPE + k * SCHUNK, SCHUNK)])
        pltpu.sync_copy(ones_v,
                        cnt_acc.at[pl.ds(s * STRIPE + k * SCHUNK, SCHUNK)])
        return carry

    lax.fori_loop(0, nfull, zcopy, 0)
    pltpu.sync_copy(rows_a.at[pl.ds(0, rem)],
                    feat_acc.at[pl.ds(s * STRIPE + nfull * SCHUNK, rem)])
    pltpu.sync_copy(ones_v.at[pl.ds(0, rem)],
                    cnt_acc.at[pl.ds(s * STRIPE + nfull * SCHUNK, rem)])
    plsc.subcore_barrier()

    def fone(q, carry):
        ones_v[pl.ds(q * 16, 16)] = jnp.ones((16,), jnp.float32)
        return carry

    lax.fori_loop(0, VGRP, fone, 0)

    base = s * BONDS_PER_T

    def remap(idx_ref):
        def rbody(g, carry2):
            v = idx_ref[pl.ds(g * 16, 16)]
            local = v - lo
            inr = (local >= 0) & (local < ATOMS_PER_SC)
            trash = ATOMS_PER_SC + (v & 31)
            lidx_v[pl.ds(g * 16, 16)] = jnp.where(inr, local, trash)
            return carry2

        lax.fori_loop(0, VGRP, rbody, 0)

    def scat(rows_ref):
        pltpu.sync_copy(rows_ref, feat_acc.at[lidx_v], add=True)
        pltpu.sync_copy(ones_v, cnt_acc.at[lidx_v], add=True)

    pltpu.async_copy(idx_hbm.at[pl.ds(base, SCHUNK)], idx_a, sia)
    pltpu.async_copy(bnew_hbm.at[pl.ds(base, SCHUNK)], rows_a, sra)

    def pair(j, carry):
        o1 = base + (2 * j + 1) * SCHUNK
        db_i = pltpu.async_copy(idx_hbm.at[pl.ds(o1, SCHUNK)], idx_b, sib)
        db_r = pltpu.async_copy(bnew_hbm.at[pl.ds(o1, SCHUNK)], rows_b, srb)
        pltpu.make_async_copy(idx_hbm.at[pl.ds(base, SCHUNK)],
                              idx_a, sia).wait()
        pltpu.make_async_copy(bnew_hbm.at[pl.ds(base, SCHUNK)],
                              rows_a, sra).wait()
        remap(idx_a)
        scat(rows_a)

        @pl.when(j < SCHUNKS // 2 - 1)
        def _():
            o2 = base + (2 * j + 2) * SCHUNK
            pltpu.async_copy(idx_hbm.at[pl.ds(o2, SCHUNK)], idx_a, sia)
            pltpu.async_copy(bnew_hbm.at[pl.ds(o2, SCHUNK)], rows_a, sra)

        db_i.wait()
        db_r.wait()
        remap(idx_b)
        scat(rows_b)
        return carry

    lax.fori_loop(0, SCHUNKS // 2, pair, 0)
    plsc.subcore_barrier()

    out_off = lo + s * STRIPE

    @pl.when(s < NS - 1)
    def _():
        pltpu.sync_copy(feat_acc.at[pl.ds(s * STRIPE, STRIPE)],
                        seg_hbm.at[pl.ds(out_off, STRIPE)])
        pltpu.sync_copy(cnt_acc.at[pl.ds(s * STRIPE, STRIPE)],
                        cnt_hbm.at[pl.ds(out_off, STRIPE)])

    @pl.when(s == NS - 1)
    def _():
        pltpu.sync_copy(feat_acc.at[pl.ds(s * STRIPE, LAST_STRIPE)],
                        seg_hbm.at[pl.ds(out_off, LAST_STRIPE)])
        pltpu.sync_copy(cnt_acc.at[pl.ds(s * STRIPE, LAST_STRIPE)],
                        cnt_hbm.at[pl.ds(out_off, LAST_STRIPE)])


def _sc_scatter(bonds_new, idx1):
    mesh = plsc.VectorSubcoreMesh(core_axis_name="c", subcore_axis_name="s")
    f = pl.kernel(
        _scatter_body,
        out_type=[jax.ShapeDtypeStruct((NA, D), jnp.float32),
                  jax.ShapeDtypeStruct((NA,), jnp.float32)],
        mesh=mesh,
        compiler_params=pltpu.CompilerParams(use_tc_tiling_on_sc=False),
        scratch_types=[pltpu.VMEM((SCHUNK,), jnp.int32),
                       pltpu.VMEM((SCHUNK,), jnp.int32),
                       pltpu.VMEM((SCHUNK,), jnp.int32),
                       pltpu.VMEM((SCHUNK, D), jnp.float32),
                       pltpu.VMEM((SCHUNK, D), jnp.float32),
                       pltpu.VMEM((SCHUNK,), jnp.float32),
                       pltpu.VMEM_SHARED((ACC_ROWS, D), jnp.float32),
                       pltpu.VMEM_SHARED((ACC_ROWS,), jnp.float32),
                       pltpu.SemaphoreType.DMA,
                       pltpu.SemaphoreType.DMA,
                       pltpu.SemaphoreType.DMA,
                       pltpu.SemaphoreType.DMA],
    )
    return f(bonds_new, idx1)


def _softplus(x):
    return jnp.maximum(x, 0.0) + jnp.log(1.0 + jnp.exp(-jnp.abs(x)))


EBLK = 1600
EGRID = EROWS // EBLK


def _edge_body(a1p, a2p, bdp, st, W1a, W1b, W1c, W1d, b1, b2p, b3p,
               W2bd, W3bd, out, acc):
    i = pl.program_id(0)
    c0 = jnp.dot(st[...], W1d[...], preferred_element_type=jnp.float32) \
        + b1[...]
    c0p = jnp.concatenate([c0, c0, c0, c0], axis=1)
    h = (jnp.dot(a1p[...], W1a[...], preferred_element_type=jnp.float32)
         + jnp.dot(a2p[...], W1b[...], preferred_element_type=jnp.float32)
         + jnp.dot(bdp[...], W1c[...], preferred_element_type=jnp.float32)
         + c0p)
    h = _softplus(h)
    h = _softplus(jnp.dot(h, W2bd[...], preferred_element_type=jnp.float32)
                  + b2p[...])
    h = _softplus(jnp.dot(h, W3bd[...], preferred_element_type=jnp.float32)
                  + b3p[...])
    out[...] = h

    @pl.when(i == 0)
    def _():
        acc[...] = jnp.zeros_like(acc)

    acc[...] += jnp.sum(h.reshape(8, EBLK // 8, 128), axis=1)


def _edge_mlp(a1p, a2p, bdp, state, W1a, W1b, W1c, W1d, b1, b2p, b3p,
              W2bd, W3bd):
    full = lambda shape: pl.BlockSpec(shape, lambda i: (0, 0))
    return pl.pallas_call(
        _edge_body,
        grid=(EGRID,),
        in_specs=[
            pl.BlockSpec((EBLK, 128), lambda i: (i, 0)),
            pl.BlockSpec((EBLK, 128), lambda i: (i, 0)),
            pl.BlockSpec((EBLK, 128), lambda i: (i, 0)),
            full((1, D)),
            full((128, 256)), full((128, 256)), full((128, 256)),
            full((32, 64)), full((1, 64)), full((1, 256)), full((1, 128)),
            full((256, 256)), full((256, 128)),
        ],
        out_specs=[
            pl.BlockSpec((EBLK, 128), lambda i: (i, 0)),
            pl.BlockSpec((8, 128), lambda i: (0, 0)),
        ],
        out_shape=[jax.ShapeDtypeStruct((EROWS, 128), jnp.float32),
                   jax.ShapeDtypeStruct((8, 128), jnp.float32)],
    )(a1p, a2p, bdp, state, W1a, W1b, W1c, W1d, b1, b2p, b3p, W2bd, W3bd)


ABLK = 1000
AGRID = NA // ABLK


def _atom_body(seg, cnt, at, st, W1, b1, W2, b2, W3, b3, out, acc):
    i = pl.program_id(0)
    b2a = seg[...] / cnt[...]
    x = jnp.concatenate([b2a, at[...]], axis=1)
    c0 = jnp.dot(st[...], W1[64:96, :],
                 preferred_element_type=jnp.float32) + b1[...]
    h = jnp.dot(x, W1[0:64, :], preferred_element_type=jnp.float32) + c0
    h = _softplus(h)
    h = _softplus(jnp.dot(h, W2[...], preferred_element_type=jnp.float32)
                  + b2[...])
    h = _softplus(jnp.dot(h, W3[...], preferred_element_type=jnp.float32)
                  + b3[...])
    out[...] = h

    @pl.when(i == 0)
    def _():
        acc[...] = jnp.zeros_like(acc)

    acc[...] += jnp.sum(h.reshape(8, ABLK // 8, D), axis=1)


def _atom_mlp(seg, cnt, atoms, state, W1, b1, W2, b2, W3, b3):
    full = lambda shape: pl.BlockSpec(shape, lambda i: (0, 0))
    return pl.pallas_call(
        _atom_body,
        grid=(AGRID,),
        in_specs=[
            pl.BlockSpec((ABLK, D), lambda i: (i, 0)),
            pl.BlockSpec((ABLK, 1), lambda i: (i, 0)),
            pl.BlockSpec((ABLK, D), lambda i: (i, 0)),
            full((1, D)),
            full((96, 64)), full((1, 64)),
            full((64, 64)), full((1, 64)),
            full((64, 32)), full((1, 32)),
        ],
        out_specs=[
            pl.BlockSpec((ABLK, D), lambda i: (i, 0)),
            pl.BlockSpec((8, D), lambda i: (0, 0)),
        ],
        out_shape=[jax.ShapeDtypeStruct((NA, D), jnp.float32),
                   jax.ShapeDtypeStruct((8, D), jnp.float32)],
    )(seg, cnt, atoms, state, W1, b1, W2, b2, W3, b3)


def _state_body(bacc, aacc, st, W1, b1, W2, b2, W3, b3, out):
    bp = bacc[...]
    bsum = (bp[:, 0:32] + bp[:, 32:64] + bp[:, 64:96] + bp[:, 96:128])
    b2s = jnp.sum(bsum, axis=0, keepdims=True) / NB
    a2s = jnp.sum(aacc[...], axis=0, keepdims=True) / NA
    c0 = jnp.dot(st[...], W1[64:96, :],
                 preferred_element_type=jnp.float32) + b1[...]
    h = (jnp.dot(b2s, W1[0:32, :], preferred_element_type=jnp.float32)
         + jnp.dot(a2s, W1[32:64, :], preferred_element_type=jnp.float32)
         + c0)
    h = _softplus(h)
    h = _softplus(jnp.dot(h, W2[...], preferred_element_type=jnp.float32)
                  + b2[...])
    h = _softplus(jnp.dot(h, W3[...], preferred_element_type=jnp.float32)
                  + b3[...])
    out[...] = h


def _state_mlp(bacc, aacc, state, W1, b1, W2, b2, W3, b3):
    return pl.pallas_call(
        _state_body,
        out_shape=jax.ShapeDtypeStruct((1, D), jnp.float32),
    )(bacc, aacc, state, W1, b1, W2, b2, W3, b3)


def kernel(bonds, bond_atom_1, bond_atom_2, atoms, state,
           e_W1, e_b1, e_W2, e_b2, e_W3, e_b3,
           v_W1, v_b1, v_W2, v_b2, v_W3, v_b3,
           u_W1, u_b1, u_W2, u_b2, u_W3, u_b3):
    a1, a2 = _sc_gather(atoms, bond_atom_1, bond_atom_2)
    eye4 = jnp.eye(4, dtype=jnp.float32)
    bnp, bacc = _edge_mlp(
        a1.reshape(EROWS, 128), a2.reshape(EROWS, 128),
        bonds.reshape(EROWS, 128), state,
        jnp.kron(eye4, e_W1[0:32, :]),
        jnp.kron(eye4, e_W1[32:64, :]),
        jnp.kron(eye4, e_W1[64:96, :]),
        e_W1[96:128, :], e_b1.reshape(1, 64),
        jnp.tile(e_b2, 4).reshape(1, 256), jnp.tile(e_b3, 4).reshape(1, 128),
        jnp.kron(eye4, e_W2), jnp.kron(eye4, e_W3))
    bonds_new = bnp.reshape(NB, D)
    seg, cnt = _sc_scatter(bonds_new, bond_atom_1)
    atoms_new, aacc = _atom_mlp(
        seg, cnt.reshape(NA, 1), atoms, state,
        v_W1, v_b1.reshape(1, 64), v_W2, v_b2.reshape(1, 64),
        v_W3, v_b3.reshape(1, 32))
    state_new = _state_mlp(
        bacc, aacc, state,
        u_W1, u_b1.reshape(1, 64), u_W2, u_b2.reshape(1, 64),
        u_W3, u_b3.reshape(1, 32))
    return (bonds_new, atoms_new, state_new)

# --- scband reference (transcript-rebuilt; emitter-appended) ---
"""Pipeline reference for scband-meg-net-layer-81844896792587 (READ-ONLY COPY).

The authoritative reference and input builder live on the scoring server;
editing this copy changes nothing except your own understanding.
"""

import jax, jax.numpy as jnp
import numpy as np

N_ATOMS = 100000
N_BONDS = 1600000
D = 32


def _mlp(x, W1, b1, W2, b2, W3, b3):
    x = jax.nn.softplus(x @ W1 + b1)
    x = jax.nn.softplus(x @ W2 + b2)
    x = jax.nn.softplus(x @ W3 + b3)
    return x


def _mk(key, shape):
    return jax.random.normal(key, shape, dtype=jnp.float32) * 0.05


def setup_inputs(seed: int = 0):
    key = jax.random.key(seed)
    ks = jax.random.split(key, 32)
    inp = {}
    inp["bonds"] = jax.random.normal(ks[0], (N_BONDS, D), dtype=jnp.float32)
    inp["bond_atom_1"] = jax.random.randint(ks[1], (N_BONDS,), 0, N_ATOMS, dtype=jnp.int32)
    inp["bond_atom_2"] = jax.random.randint(ks[2], (N_BONDS,), 0, N_ATOMS, dtype=jnp.int32)
    inp["atoms"] = jax.random.normal(ks[3], (N_ATOMS, D), dtype=jnp.float32)
    inp["state"] = jax.random.normal(ks[4], (1, D), dtype=jnp.float32)
    dims = {"e": 128, "v": 96, "u": 96}
    i = 5
    for name, din in dims.items():
        inp[name + "_W1"] = _mk(ks[i], (din, 64)); i += 1
        inp[name + "_b1"] = _mk(ks[i], (64,)); i += 1
        inp[name + "_W2"] = _mk(ks[i], (64, 64)); i += 1
        inp[name + "_b2"] = _mk(ks[i], (64,)); i += 1
        inp[name + "_W3"] = _mk(ks[i], (64, 32)); i += 1
        inp[name + "_b3"] = _mk(ks[i], (32,)); i += 1
    return inp


def reference(bonds, bond_atom_1, bond_atom_2, atoms, state,
              e_W1, e_b1, e_W2, e_b2, e_W3, e_b3,
              v_W1, v_b1, v_W2, v_b2, v_W3, v_b3,
              u_W1, u_b1, u_W2, u_b2, u_W3, u_b3):
    num_bonds = bonds.shape[0]
    num_atoms = atoms.shape[0]
    # gather endpoint atom features per bond (vectorized form of the python loop)
    atom_1_to_bonds = atoms[bond_atom_1]
    atom_2_to_bonds = atoms[bond_atom_2]
    state_rep_b = jnp.tile(state, (num_bonds, 1))
    bonds_cat = jnp.concatenate([atom_1_to_bonds, atom_2_to_bonds, bonds, state_rep_b], axis=1)
    bonds_new = _mlp(bonds_cat, e_W1, e_b1, e_W2, e_b2, e_W3, e_b3)
    # scatter-add updated bond features to atom_1 endpoints, then mean
    bonds_to_atoms = jax.ops.segment_sum(bonds_new, bond_atom_1, num_segments=num_atoms)
    count = jax.ops.segment_sum(jnp.ones((num_bonds, 1), jnp.float32), bond_atom_1, num_segments=num_atoms)
    bonds_to_atoms = bonds_to_atoms / count
    state_rep_a = jnp.tile(state, (num_atoms, 1))
    atoms_cat = jnp.concatenate([bonds_to_atoms, atoms, state_rep_a], axis=1)
    atoms_new = _mlp(atoms_cat, v_W1, v_b1, v_W2, v_b2, v_W3, v_b3)
    bonds_to_state = jnp.mean(bonds_new, axis=0, keepdims=True)
    atoms_to_state = jnp.mean(atoms_new, axis=0, keepdims=True)
    state_cat = jnp.concatenate([bonds_to_state, atoms_to_state, state], axis=1)
    state_new = _mlp(state_cat, u_W1, u_b1, u_W2, u_b2, u_W3, u_b3)
    return (bonds_new, atoms_new, state_new)

if __name__ == "__main__":
    import jax
    _d = setup_inputs()
    print(jax.jit(kernel)(*tuple(_d.values())))

</pallas_src>

<mosaic_0001>
#map = affine_map<(d0, d1) -> (0, 0)>
#map1 = affine_map<(d0, d1) -> (0)>
module attributes {stable_mosaic.version = 14 : i64} {
  func.func @_gather_body(%arg0: i32, %arg1: i32, %arg2: memref<100000x32xf32, #tpu.memory_space<hbm>>, %arg3: memref<1600000xi32, #tpu.memory_space<hbm>>, %arg4: memref<1600000xi32, #tpu.memory_space<hbm>>, %arg5: memref<1600000x32xf32, #tpu.memory_space<hbm>>, %arg6: memref<1600000x32xf32, #tpu.memory_space<hbm>>, %arg7: memref<2000xi32, #tpu.memory_space<vmem>>, %arg8: memref<2000x32xf32, #tpu.memory_space<vmem>>, %arg9: memref<!tpu.dma_semaphore, #tpu.memory_space<semaphore_mem>>) attributes {dimension_semantics = [#tpu.dimension_semantics<core_parallel>, #tpu.dimension_semantics<subcore_parallel>], iteration_bounds = array<i64: 2, 16>, scalar_prefetch = 0 : i64, scratch_operands = 3 : i64, tpu.core_type = #tpu.core_type<sc_vector_subcore>, window_params = [{transform_indices = #map}, {transform_indices = #map1}, {transform_indices = #map1}, {transform_indices = #map}, {transform_indices = #map}]} {
    %mul3A = arith.constant 2 : i32
    %mul3A_0 = arith.muli %arg1, %mul3A : i32
    %add3A = arith.addi %mul3A_0, %arg0 : i32
    %mul3A_1 = arith.constant 50000 : i32
    %mul3A_2 = arith.muli %add3A, %mul3A_1 : i32
    %scan3A = arith.constant 0 : i32
    %scan3A_3 = arith.constant 0 : i32
    %scan3A_4 = arith.constant 25 : i32
    %scan3A_5 = arith.addi %scan3A_3, %scan3A_4 : i32
    %scan3A_6 = arith.constant 1 : i32
    scf.for %scan3A_8 = %scan3A_3 to %scan3A_5 step %scan3A_6  : i32 {
      %mul3A_9 = arith.constant 2000 : i32
      %mul3A_10 = arith.muli %scan3A_8, %mul3A_9 : i32
      %add3A_11 = arith.addi %mul3A_2, %mul3A_10 : i32
      "tpu.region"() ({
        %run_scoped3A = tpu.sem_alloc : memref<!tpu.dma_semaphore, #tpu.memory_space<semaphore_mem>>
        %dma_start3A_22 = tpu.memref_slice %arg3[%add3A_11] : memref<1600000xi32, #tpu.memory_space<hbm>> -> memref<2000xi32, #tpu.memory_space<hbm>>
        %dma_start3A_23 = tpu.memref_slice %arg3[%add3A_11] : memref<1600000xi32, #tpu.memory_space<hbm>> -> memref<2000xi32, #tpu.memory_space<hbm>>
        tpu.enqueue_dma source(%dma_start3A_23 : memref<2000xi32, #tpu.memory_space<hbm>>) target(%arg7 : memref<2000xi32, #tpu.memory_space<vmem>>) target_semaphore(%run_scoped3A : memref<!tpu.dma_semaphore, #tpu.memory_space<semaphore_mem>>)
        %dma_wait3A_24 = tpu.memref_slice %arg3[%add3A_11] : memref<1600000xi32, #tpu.memory_space<hbm>> -> memref<2000xi32, #tpu.memory_space<hbm>>
        %dma_wait3A_25 = tpu.memref_slice %arg3[%add3A_11] : memref<1600000xi32, #tpu.memory_space<hbm>> -> memref<2000xi32, #tpu.memory_space<hbm>>
        tpu.wait_dma2 semaphore(%run_scoped3A : memref<!tpu.dma_semaphore, #tpu.memory_space<semaphore_mem>>) src(%dma_wait3A_25 : memref<2000xi32, #tpu.memory_space<hbm>>) dst(%arg7 : memref<2000xi32, #tpu.memory_space<vmem>>)
        tpu.yield
      }) : () -> ()
      %dma_start3A = arith.constant 0 : i32
      %dma_start3A_12 = arith.constant 0 : i32
      %dma_start3A_13 = tpu.memref_slice %arg2[%dma_start3A, %dma_start3A_12] : memref<100000x32xf32, #tpu.memory_space<hbm>> -> memref<100000x32xf32, #tpu.memory_space<hbm>>
      tpu.enqueue_indirect_dma source(%dma_start3A_13 : memref<100000x32xf32, #tpu.memory_space<hbm>>) target(%arg8 : memref<2000x32xf32, #tpu.memory_space<vmem>>) offsets(%arg7 : memref<2000xi32, #tpu.memory_space<vmem>>) semaphore(%arg9 : memref<!tpu.dma_semaphore, #tpu.memory_space<semaphore_mem>>)
      %dma_wait3A = arith.constant 0 : i32
      %dma_wait3A_14 = arith.constant 0 : i32
      %dma_wait3A_15 = tpu.memref_slice %arg2[%dma_wait3A, %dma_wait3A_14] : memref<100000x32xf32, #tpu.memory_space<hbm>> -> memref<100000x32xf32, #tpu.memory_space<hbm>>
      tpu.wait_indirect_dma semaphore(%arg9 : memref<!tpu.dma_semaphore, #tpu.memory_space<semaphore_mem>>) src(%dma_wait3A_15 : memref<100000x32xf32, #tpu.memory_space<hbm>>) dst(%arg8 : memref<2000x32xf32, #tpu.memory_space<vmem>>)
      "tpu.region"() ({
        %run_scoped3A = tpu.sem_alloc : memref<!tpu.dma_semaphore, #tpu.memory_space<semaphore_mem>>
        %dma_start3A_22 = arith.constant 0 : i32
        %dma_start3A_23 = tpu.memref_slice %arg5[%add3A_11, %dma_start3A_22] : memref<1600000x32xf32, #tpu.memory_space<hbm>> -> memref<2000x32xf32, #tpu.memory_space<hbm>>
        %dma_start3A_24 = arith.constant 0 : i32
        %dma_start3A_25 = tpu.memref_slice %arg5[%add3A_11, %dma_start3A_24] : memref<1600000x32xf32, #tpu.memory_space<hbm>> -> memref<2000x32xf32, #tpu.memory_space<hbm>>
        tpu.enqueue_dma source(%arg8 : memref<2000x32xf32, #tpu.memory_space<vmem>>) target(%dma_start3A_25 : memref<2000x32xf32, #tpu.memory_space<hbm>>) target_semaphore(%run_scoped3A : memref<!tpu.dma_semaphore, #tpu.memory_space<semaphore_mem>>)
        %dma_wait3A_26 = arith.constant 0 : i32
        %dma_wait3A_27 = tpu.memref_slice %arg5[%add3A_11, %dma_wait3A_26] : memref<1600000x32xf32, #tpu.memory_space<hbm>> -> memref<2000x32xf32, #tpu.memory_space<hbm>>
        %dma_wait3A_28 = arith.constant 0 : i32
        %dma_wait3A_29 = tpu.memref_slice %arg5[%add3A_11, %dma_wait3A_28] : memref<1600000x32xf32, #tpu.memory_space<hbm>> -> memref<2000x32xf32, #tpu.memory_space<hbm>>
        tpu.wait_dma2 semaphore(%run_scoped3A : memref<!tpu.dma_semaphore, #tpu.memory_space<semaphore_mem>>) src(%arg8 : memref<2000x32xf32, #tpu.memory_space<vmem>>) dst(%dma_wait3A_29 : memref<2000x32xf32, #tpu.memory_space<hbm>>)
        tpu.yield
      }) : () -> ()
      "tpu.region"() ({
        %run_scoped3A = tpu.sem_alloc : memref<!tpu.dma_semaphore, #tpu.memory_space<semaphore_mem>>
        %dma_start3A_22 = tpu.memref_slice %arg4[%add3A_11] : memref<1600000xi32, #tpu.memory_space<hbm>> -> memref<2000xi32, #tpu.memory_space<hbm>>
        %dma_start3A_23 = tpu.memref_slice %arg4[%add3A_11] : memref<1600000xi32, #tpu.memory_space<hbm>> -> memref<2000xi32, #tpu.memory_space<hbm>>
        tpu.enqueue_dma source(%dma_start3A_23 : memref<2000xi32, #tpu.memory_space<hbm>>) target(%arg7 : memref<2000xi32, #tpu.memory_space<vmem>>) target_semaphore(%run_scoped3A : memref<!tpu.dma_semaphore, #tpu.memory_space<semaphore_mem>>)
        %dma_wait3A_24 = tpu.memref_slice %arg4[%add3A_11] : memref<1600000xi32, #tpu.memory_space<hbm>> -> memref<2000xi32, #tpu.memory_space<hbm>>
        %dma_wait3A_25 = tpu.memref_slice %arg4[%add3A_11] : memref<1600000xi32, #tpu.memory_space<hbm>> -> memref<2000xi32, #tpu.memory_space<hbm>>
        tpu.wait_dma2 semaphore(%run_scoped3A : memref<!tpu.dma_semaphore, #tpu.memory_space<semaphore_mem>>) src(%dma_wait3A_25 : memref<2000xi32, #tpu.memory_space<hbm>>) dst(%arg7 : memref<2000xi32, #tpu.memory_space<vmem>>)
        tpu.yield
      }) : () -> ()
      %dma_start3A_16 = arith.constant 0 : i32
      %dma_start3A_17 = arith.constant 0 : i32
      %dma_start3A_18 = tpu.memref_slice %arg2[%dma_start3A_16, %dma_start3A_17] : memref<100000x32xf32, #tpu.memory_space<hbm>> -> memref<100000x32xf32, #tpu.memory_space<hbm>>
      tpu.enqueue_indirect_dma source(%dma_start3A_18 : memref<100000x32xf32, #tpu.memory_space<hbm>>) target(%arg8 : memref<2000x32xf32, #tpu.memory_space<vmem>>) offsets(%arg7 : memref<2000xi32, #tpu.memory_space<vmem>>) semaphore(%arg9 : memref<!tpu.dma_semaphore, #tpu.memory_space<semaphore_mem>>)
      %dma_wait3A_19 = arith.constant 0 : i32
      %dma_wait3A_20 = arith.constant 0 : i32
      %dma_wait3A_21 = tpu.memref_slice %arg2[%dma_wait3A_19, %dma_wait3A_20] : memref<100000x32xf32, #tpu.memory_space<hbm>> -> memref<100000x32xf32, #tpu.memory_space<hbm>>
      tpu.wait_indirect_dma semaphore(%arg9 : memref<!tpu.dma_semaphore, #tpu.memory_space<semaphore_mem>>) src(%dma_wait3A_21 : memref<100000x32xf32, #tpu.memory_space<hbm>>) dst(%arg8 : memref<2000x32xf32, #tpu.memory_space<vmem>>)
      "tpu.region"() ({
        %run_scoped3A = tpu.sem_alloc : memref<!tpu.dma_semaphore, #tpu.memory_space<semaphore_mem>>
        %dma_start3A_22 = arith.constant 0 : i32
        %dma_start3A_23 = tpu.memref_slice %arg6[%add3A_11, %dma_start3A_22] : memref<1600000x32xf32, #tpu.memory_space<hbm>> -> memref<2000x32xf32, #tpu.memory_space<hbm>>
        %dma_start3A_24 = arith.constant 0 : i32
        %dma_start3A_25 = tpu.memref_slice %arg6[%add3A_11, %dma_start3A_24] : memref<1600000x32xf32, #tpu.memory_space<hbm>> -> memref<2000x32xf32, #tpu.memory_space<hbm>>
        tpu.enqueue_dma source(%arg8 : memref<2000x32xf32, #tpu.memory_space<vmem>>) target(%dma_start3A_25 : memref<2000x32xf32, #tpu.memory_space<hbm>>) target_semaphore(%run_scoped3A : memref<!tpu.dma_semaphore, #tpu.memory_space<semaphore_mem>>)
        %dma_wait3A_26 = arith.constant 0 : i32
        %dma_wait3A_27 = tpu.memref_slice %arg6[%add3A_11, %dma_wait3A_26] : memref<1600000x32xf32, #tpu.memory_space<hbm>> -> memref<2000x32xf32, #tpu.memory_space<hbm>>
        %dma_wait3A_28 = arith.constant 0 : i32
        %dma_wait3A_29 = tpu.memref_slice %arg6[%add3A_11, %dma_wait3A_28] : memref<1600000x32xf32, #tpu.memory_space<hbm>> -> memref<2000x32xf32, #tpu.memory_space<hbm>>
        tpu.wait_dma2 semaphore(%run_scoped3A : memref<!tpu.dma_semaphore, #tpu.memory_space<semaphore_mem>>) src(%arg8 : memref<2000x32xf32, #tpu.memory_space<vmem>>) dst(%dma_wait3A_29 : memref<2000x32xf32, #tpu.memory_space<hbm>>)
        tpu.yield
      }) : () -> ()
    }
    %scan3A_7 = arith.constant 25 : i32
    return
  }
}

#map = affine_map<(d0, d1) -> (0, 0)>
#map1 = affine_map<(d0, d1) -> (0)>
module attributes {stable_mosaic.version = 14 : i64} {
  func.func @_scatter_body(%arg0: i32, %arg1: i32, %arg2: memref<1600000x32xf32, #tpu.memory_space<hbm>>, %arg3: memref<1600000xi32, #tpu.memory_space<hbm>>, %arg4: memref<100000x32xf32, #tpu.memory_space<hbm>>, %arg5: memref<100000xf32, #tpu.memory_space<hbm>>, %arg6: memref<400xi32, #tpu.memory_space<vmem>>, %arg7: memref<400xi32, #tpu.memory_space<vmem>>, %arg8: memref<400xi32, #tpu.memory_space<vmem>>, %arg9: memref<400x32xf32, #tpu.memory_space<vmem>>, %arg10: memref<400x32xf32, #tpu.memory_space<vmem>>, %arg11: memref<400xf32, #tpu.memory_space<vmem>>, %arg12: memref<50048x32xf32, #tpu.memory_space<vmem_shared>>, %arg13: memref<50048xf32, #tpu.memory_space<vmem_shared>>, %arg14: memref<!tpu.dma_semaphore, #tpu.memory_space<semaphore_mem>>, %arg15: memref<!tpu.dma_semaphore, #tpu.memory_space<semaphore_mem>>, %arg16: memref<!tpu.dma_semaphore, #tpu.memory_space<semaphore_mem>>, %arg17: memref<!tpu.dma_semaphore, #tpu.memory_space<semaphore_mem>>) attributes {dimension_semantics = [#tpu.dimension_semantics<core_parallel>, #tpu.dimension_semantics<subcore_parallel>], iteration_bounds = array<i64: 2, 16>, scalar_prefetch = 0 : i64, scratch_operands = 12 : i64, tpu.core_type = #tpu.core_type<sc_vector_subcore>, window_params = [{transform_indices = #map}, {transform_indices = #map1}, {transform_indices = #map}, {transform_indices = #map1}]} {
    %mul3A = arith.constant 50000 : i32
    %mul3A_0 = arith.muli %arg0, %mul3A : i32
    %scan3A = arith.constant 0 : i32
    %scan3A_1 = arith.constant 0 : i32
    %scan3A_2 = arith.constant 400 : i32
    %scan3A_3 = arith.addi %scan3A_1, %scan3A_2 : i32
    %scan3A_4 = arith.constant 1 : i32
    scf.for %scan3A_54 = %scan3A_1 to %scan3A_3 step %scan3A_4  : i32 {
      %broadcast_in_dim3A = arith.constant 0.000000e+00 : f32
      %broadcast_in_dim3A_55 = vector.broadcast %broadcast_in_dim3A : f32 to vector<16xf32>
      %swap3A = arith.index_cast %scan3A_54 : i32 to index
      %swap3A_56 = arith.constant 0 : index
      %swap3A_57 = tpu.vector_load %arg9[%swap3A, %swap3A_56] {strides = array<i32>} : memref<400x32xf32, #tpu.memory_space<vmem>>, vector<1x16xf32>,
      %swap3A_58 = vector.shape_cast %swap3A_57 : vector<1x16xf32> to vector<16xf32>
      %swap3A_59 = vector.shape_cast %broadcast_in_dim3A_55 : vector<16xf32> to vector<1x16xf32>
      tpu.vector_store %arg9[%swap3A, %swap3A_56], %swap3A_59 {strides = array<i32>} : memref<400x32xf32, #tpu.memory_space<vmem>>, vector<1x16xf32>,
      %broadcast_in_dim3A_60 = arith.constant 0.000000e+00 : f32
      %broadcast_in_dim3A_61 = vector.broadcast %broadcast_in_dim3A_60 : f32 to vector<16xf32>
      %swap3A_62 = arith.index_cast %scan3A_54 : i32 to index
      %swap3A_63 = arith.constant 16 : index
      %swap3A_64 = tpu.vector_load %arg9[%swap3A_62, %swap3A_63] {strides = array<i32>} : memref<400x32xf32, #tpu.memory_space<vmem>>, vector<1x16xf32>,
      %swap3A_65 = vector.shape_cast %swap3A_64 : vector<1x16xf32> to vector<16xf32>
      %swap3A_66 = vector.shape_cast %broadcast_in_dim3A_61 : vector<16xf32> to vector<1x16xf32>
      tpu.vector_store %arg9[%swap3A_62, %swap3A_63], %swap3A_66 {strides = array<i32>} : memref<400x32xf32, #tpu.memory_space<vmem>>, vector<1x16xf32>,
    }
    %scan3A_5 = arith.constant 400 : i32
    %scan3A_6 = arith.constant 0 : i32
    %scan3A_7 = arith.constant 0 : i32
    %scan3A_8 = arith.constant 25 : i32
    %scan3A_9 = arith.addi %scan3A_7, %scan3A_8 : i32
    %scan3A_10 = arith.constant 1 : i32
    scf.for %scan3A_54 = %scan3A_7 to %scan3A_9 step %scan3A_10  : i32 {
      %broadcast_in_dim3A = arith.constant 0.000000e+00 : f32
      %broadcast_in_dim3A_55 = vector.broadcast %broadcast_in_dim3A : f32 to vector<16xf32>
      %mul3A_56 = arith.constant 16 : i32
      %mul3A_57 = arith.muli %scan3A_54, %mul3A_56 : i32
      %swap3A = arith.index_cast %mul3A_57 : i32 to index
      %swap3A_58 = tpu.vector_load %arg11[%swap3A] {strides = array<i32>} : memref<400xf32, #tpu.memory_space<vmem>>, vector<16xf32>,
      %swap3A_59 = vector.shape_cast %swap3A_58 : vector<16xf32> to vector<16xf32>
      %swap3A_60 = vector.shape_cast %broadcast_in_dim3A_55 : vector<16xf32> to vector<16xf32>
      tpu.vector_store %arg11[%swap3A], %swap3A_60 {strides = array<i32>} : memref<400xf32, #tpu.memory_space<vmem>>, vector<16xf32>,
    }
    %scan3A_11 = arith.constant 25 : i32
    %scan3A_12 = arith.constant 0 : i32
    %scan3A_13 = arith.constant 0 : i32
    %scan3A_14 = arith.constant 7 : i32
    %scan3A_15 = arith.addi %scan3A_13, %scan3A_14 : i32
    %scan3A_16 = arith.constant 1 : i32
    scf.for %scan3A_54 = %scan3A_13 to %scan3A_15 step %scan3A_16  : i32 {
      %mul3A_55 = arith.constant 3128 : i32
      %mul3A_56 = arith.muli %arg1, %mul3A_55 : i32
      %mul3A_57 = arith.constant 400 : i32
      %mul3A_58 = arith.muli %scan3A_54, %mul3A_57 : i32
      %add3A_59 = arith.addi %mul3A_56, %mul3A_58 : i32
      "tpu.region"() ({
        %run_scoped3A = tpu.sem_alloc : memref<!tpu.dma_semaphore, #tpu.memory_space<semaphore_mem>>
        %dma_start3A_65 = arith.constant 0 : i32
        %dma_start3A_66 = tpu.memref_slice %arg12[%add3A_59, %dma_start3A_65] : memref<50048x32xf32, #tpu.memory_space<vmem_shared>> -> memref<400x32xf32, #tpu.memory_space<vmem_shared>>
        %dma_start3A_67 = arith.constant 0 : i32
        %dma_start3A_68 = tpu.memref_slice %arg12[%add3A_59, %dma_start3A_67] : memref<50048x32xf32, #tpu.memory_space<vmem_shared>> -> memref<400x32xf32, #tpu.memory_space<vmem_shared>>
        tpu.enqueue_dma source(%arg9 : memref<400x32xf32, #tpu.memory_space<vmem>>) target(%dma_start3A_68 : memref<400x32xf32, #tpu.memory_space<vmem_shared>>) target_semaphore(%run_scoped3A : memref<!tpu.dma_semaphore, #tpu.memory_space<semaphore_mem>>)
        %dma_wait3A = arith.constant 0 : i32
        %dma_wait3A_69 = tpu.memref_slice %arg12[%add3A_59, %dma_wait3A] : memref<50048x32xf32, #tpu.memory_space<vmem_shared>> -> memref<400x32xf32, #tpu.memory_space<vmem_shared>>
        %dma_wait3A_70 = arith.constant 0 : i32
        %dma_wait3A_71 = tpu.memref_slice %arg12[%add3A_59, %dma_wait3A_70] : memref<50048x32xf32, #tpu.memory_space<vmem_shared>> -> memref<400x32xf32, #tpu.memory_space<vmem_shared>>
        tpu.wait_dma2 semaphore(%run_scoped3A : memref<!tpu.dma_semaphore, #tpu.memory_space<semaphore_mem>>) src(%arg9 : memref<400x32xf32, #tpu.memory_space<vmem>>) dst(%dma_wait3A_71 : memref<400x32xf32, #tpu.memory_space<vmem_shared>>)
        tpu.yield
      }) : () -> ()
      %mul3A_60 = arith.constant 3128 : i32
      %mul3A_61 = arith.muli %arg1, %mul3A_60 : i32
      %mul3A_62 = arith.constant 400 : i32
      %mul3A_63 = arith.muli %scan3A_54, %mul3A_62 : i32
      %add3A_64 = arith.addi %mul3A_61, %mul3A_63 : i32
      "tpu.region"() ({
        %run_scoped3A = tpu.sem_alloc : memref<!tpu.dma_semaphore, #tpu.memory_space<semaphore_mem>>
        %dma_start3A_65 = tpu.memref_slice %arg13[%add3A_64] : memref<50048xf32, #tpu.memory_space<vmem_shared>> -> memref<400xf32, #tpu.memory_space<vmem_shared>>
        %dma_start3A_66 = tpu.memref_slice %arg13[%add3A_64] : memref<50048xf32, #tpu.memory_space<vmem_shared>> -> memref<400xf32, #tpu.memory_space<vmem_shared>>
        tpu.enqueue_dma source(%arg11 : memref<400xf32, #tpu.memory_space<vmem>>) target(%dma_start3A_66 : memref<400xf32, #tpu.memory_space<vmem_shared>>) target_semaphore(%run_scoped3A : memref<!tpu.dma_semaphore, #tpu.memory_space<semaphore_mem>>)
        %dma_wait3A = tpu.memref_slice %arg13[%add3A_64] : memref<50048xf32, #tpu.memory_space<vmem_shared>> -> memref<400xf32, #tpu.memory_space<vmem_shared>>
        %dma_wait3A_67 = tpu.memref_slice %arg13[%add3A_64] : memref<50048xf32, #tpu.memory_space<vmem_shared>> -> memref<400xf32, #tpu.memory_space<vmem_shared>>
        tpu.wait_dma2 semaphore(%run_scoped3A : memref<!tpu.dma_semaphore, #tpu.memory_space<semaphore_mem>>) src(%arg11 : memref<400xf32, #tpu.memory_space<vmem>>) dst(%dma_wait3A_67 : memref<400xf32, #tpu.memory_space<vmem_shared>>)
        tpu.yield
      }) : () -> ()
    }
    %scan3A_17 = arith.constant 7 : i32
    %mul3A_18 = arith.constant 3128 : i32
    %mul3A_19 = arith.muli %arg1, %mul3A_18 : i32
    %add3A = arith.constant 2800 : i32
    %add3A_20 = arith.addi %mul3A_19, %add3A : i32
    "tpu.region"() ({
      %run_scoped3A = tpu.sem_alloc : memref<!tpu.dma_semaphore, #tpu.memory_space<semaphore_mem>>
      %dma_start3A_54 = arith.constant 0 : i32
      %dma_start3A_55 = arith.constant 0 : i32
      %dma_start3A_56 = tpu.memref_slice %arg9[%dma_start3A_54, %dma_start3A_55] : memref<400x32xf32, #tpu.memory_space<vmem>> -> memref<328x32xf32, #tpu.memory_space<vmem>>
      %dma_start3A_57 = arith.constant 0 : i32
      %dma_start3A_58 = tpu.memref_slice %arg12[%add3A_20, %dma_start3A_57] : memref<50048x32xf32, #tpu.memory_space<vmem_shared>> -> memref<328x32xf32, #tpu.memory_space<vmem_shared>>
      %dma_start3A_59 = arith.constant 0 : i32
      %dma_start3A_60 = tpu.memref_slice %arg12[%add3A_20, %dma_start3A_59] : memref<50048x32xf32, #tpu.memory_space<vmem_shared>> -> memref<328x32xf32, #tpu.memory_space<vmem_shared>>
      %dma_start3A_61 = arith.constant 0 : i32
      %dma_start3A_62 = arith.constant 0 : i32
      %dma_start3A_63 = tpu.memref_slice %arg9[%dma_start3A_61, %dma_start3A_62] : memref<400x32xf32, #tpu.memory_space<vmem>> -> memref<328x32xf32, #tpu.memory_space<vmem>>
      tpu.enqueue_dma source(%dma_start3A_63 : memref<328x32xf32, #tpu.memory_space<vmem>>) target(%dma_start3A_60 : memref<328x32xf32, #tpu.memory_space<vmem_shared>>) target_semaphore(%run_scoped3A : memref<!tpu.dma_semaphore, #tpu.memory_space<semaphore_mem>>)
      %dma_wait3A = arith.constant 0 : i32
      %dma_wait3A_64 = arith.constant 0 : i32
      %dma_wait3A_65 = tpu.memref_slice %arg9[%dma_wait3A, %dma_wait3A_64] : memref<400x32xf32, #tpu.memory_space<vmem>> -> memref<328x32xf32, #tpu.memory_space<vmem>>
      %dma_wait3A_66 = arith.constant 0 : i32
      %dma_wait3A_67 = tpu.memref_slice %arg12[%add3A_20, %dma_wait3A_66] : memref<50048x32xf32, #tpu.memory_space<vmem_shared>> -> memref<328x32xf32, #tpu.memory_space<vmem_shared>>
      %dma_wait3A_68 = arith.constant 0 : i32
      %dma_wait3A_69 = tpu.memref_slice %arg12[%add3A_20, %dma_wait3A_68] : memref<50048x32xf32, #tpu.memory_space<vmem_shared>> -> memref<328x32xf32, #tpu.memory_space<vmem_shared>>
      %dma_wait3A_70 = arith.constant 0 : i32
      %dma_wait3A_71 = arith.constant 0 : i32
      %dma_wait3A_72 = tpu.memref_slice %arg9[%dma_wait3A_70, %dma_wait3A_71] : memref<400x32xf32, #tpu.memory_space<vmem>> -> memref<328x32xf32, #tpu.memory_space<vmem>>
      tpu.wait_dma2 semaphore(%run_scoped3A : memref<!tpu.dma_semaphore, #tpu.memory_space<semaphore_mem>>) src(%dma_wait3A_72 : memref<328x32xf32, #tpu.memory_space<vmem>>) dst(%dma_wait3A_69 : memref<328x32xf32, #tpu.memory_space<vmem_shared>>)
      tpu.yield
    }) : () -> ()
    %mul3A_21 = arith.constant 3128 : i32
    %mul3A_22 = arith.muli %arg1, %mul3A_21 : i32
    %add3A_23 = arith.constant 2800 : i32
    %add3A_24 = arith.addi %mul3A_22, %add3A_23 : i32
    "tpu.region"() ({
      %run_scoped3A = tpu.sem_alloc : memref<!tpu.dma_semaphore, #tpu.memory_space<semaphore_mem>>
      %dma_start3A_54 = arith.constant 0 : i32
      %dma_start3A_55 = tpu.memref_slice %arg11[%dma_start3A_54] : memref<400xf32, #tpu.memory_space<vmem>> -> memref<328xf32, #tpu.memory_space<vmem>>
      %dma_start3A_56 = tpu.memref_slice %arg13[%add3A_24] : memref<50048xf32, #tpu.memory_space<vmem_shared>> -> memref<328xf32, #tpu.memory_space<vmem_shared>>
      %dma_start3A_57 = tpu.memref_slice %arg13[%add3A_24] : memref<50048xf32, #tpu.memory_space<vmem_shared>> -> memref<328xf32, #tpu.memory_space<vmem_shared>>
      %dma_start3A_58 = arith.constant 0 : i32
      %dma_start3A_59 = tpu.memref_slice %arg11[%dma_start3A_58] : memref<400xf32, #tpu.memory_space<vmem>> -> memref<328xf32, #tpu.memory_space<vmem>>
      tpu.enqueue_dma source(%dma_start3A_59 : memref<328xf32, #tpu.memory_space<vmem>>) target(%dma_start3A_57 : memref<328xf32, #tpu.memory_space<vmem_shared>>) target_semaphore(%run_scoped3A : memref<!tpu.dma_semaphore, #tpu.memory_space<semaphore_mem>>)
      %dma_wait3A = arith.constant 0 : i32
      %dma_wait3A_60 = tpu.memref_slice %arg11[%dma_wait3A] : memref<400xf32, #tpu.memory_space<vmem>> -> memref<328xf32, #tpu.memory_space<vmem>>
      %dma_wait3A_61 = tpu.memref_slice %arg13[%add3A_24] : memref<50048xf32, #tpu.memory_space<vmem_shared>> -> memref<328xf32, #tpu.memory_space<vmem_shared>>
      %dma_wait3A_62 = tpu.memref_slice %arg13[%add3A_24] : memref<50048xf32, #tpu.memory_space<vmem_shared>> -> memref<328xf32, #tpu.memory_space<vmem_shared>>
      %dma_wait3A_63 = arith.constant 0 : i32
      %dma_wait3A_64 = tpu.memref_slice %arg11[%dma_wait3A_63] : memref<400xf32, #tpu.memory_space<vmem>> -> memref<328xf32, #tpu.memory_space<vmem>>
      tpu.wait_dma2 semaphore(%run_scoped3A : memref<!tpu.dma_semaphore, #tpu.memory_space<semaphore_mem>>) src(%dma_wait3A_64 : memref<328xf32, #tpu.memory_space<vmem>>) dst(%dma_wait3A_62 : memref<328xf32, #tpu.memory_space<vmem_shared>>)
      tpu.yield
    }) : () -> ()
    %barrier3A = arith.constant 0 : index
    tpu.barrier barrier_id(%barrier3A)
    %scan3A_25 = arith.constant 0 : i32
    %scan3A_26 = arith.constant 0 : i32
    %scan3A_27 = arith.constant 25 : i32
    %scan3A_28 = arith.addi %scan3A_26, %scan3A_27 : i32
    %scan3A_29 = arith.constant 1 : i32
    scf.for %scan3A_54 = %scan3A_26 to %scan3A_28 step %scan3A_29  : i32 {
      %broadcast_in_dim3A = arith.constant 1.000000e+00 : f32
      %broadcast_in_dim3A_55 = vector.broadcast %broadcast_in_dim3A : f32 to vector<16xf32>
      %mul3A_56 = arith.constant 16 : i32
      %mul3A_57 = arith.muli %scan3A_54, %mul3A_56 : i32
      %swap3A = arith.index_cast %mul3A_57 : i32 to index
      %swap3A_58 = tpu.vector_load %arg11[%swap3A] {strides = array<i32>} : memref<400xf32, #tpu.memory_space<vmem>>, vector<16xf32>,
      %swap3A_59 = vector.shape_cast %swap3A_58 : vector<16xf32> to vector<16xf32>
      %swap3A_60 = vector.shape_cast %broadcast_in_dim3A_55 : vector<16xf32> to vector<16xf32>
      tpu.vector_store %arg11[%swap3A], %swap3A_60 {strides = array<i32>} : memref<400xf32, #tpu.memory_space<vmem>>, vector<16xf32>,
    }
    %scan3A_30 = arith.constant 25 : i32
    %mul3A_31 = arith.constant 100000 : i32
    %mul3A_32 = arith.muli %arg1, %mul3A_31 : i32
    %dma_start3A = tpu.memref_slice %arg3[%mul3A_32] : memref<1600000xi32, #tpu.memory_space<hbm>> -> memref<400xi32, #tpu.memory_space<hbm>>
    %dma_start3A_33 = tpu.memref_slice %arg3[%mul3A_32] : memref<1600000xi32, #tpu.memory_space<hbm>> -> memref<400xi32, #tpu.memory_space<hbm>>
    tpu.enqueue_dma source(%dma_start3A_33 : memref<400xi32, #tpu.memory_space<hbm>>) target(%arg6 : memref<400xi32, #tpu.memory_space<vmem>>) target_semaphore(%arg14 : memref<!tpu.dma_semaphore, #tpu.memory_space<semaphore_mem>>)
    %dma_start3A_34 = arith.constant 0 : i32
    %dma_start3A_35 = tpu.memref_slice %arg2[%mul3A_32, %dma_start3A_34] : memref<1600000x32xf32, #tpu.memory_space<hbm>> -> memref<400x32xf32, #tpu.memory_space<hbm>>
    %dma_start3A_36 = arith.constant 0 : i32
    %dma_start3A_37 = tpu.memref_slice %arg2[%mul3A_32, %dma_start3A_36] : memref<1600000x32xf32, #tpu.memory_space<hbm>> -> memref<400x32xf32, #tpu.memory_space<hbm>>
    tpu.enqueue_dma source(%dma_start3A_37 : memref<400x32xf32, #tpu.memory_space<hbm>>) target(%arg9 : memref<400x32xf32, #tpu.memory_space<vmem>>) target_semaphore(%arg15 : memref<!tpu.dma_semaphore, #tpu.memory_space<semaphore_mem>>)
    %scan3A_38 = arith.constant 0 : i32
    %scan3A_39 = arith.constant 0 : i32
    %scan3A_40 = arith.constant 125 : i32
    %scan3A_41 = arith.addi %scan3A_39, %scan3A_40 : i32
    %scan3A_42 = arith.constant 1 : i32
    scf.for %scan3A_54 = %scan3A_39 to %scan3A_41 step %scan3A_42  : i32 {
      %mul3A_55 = arith.constant 2 : i32
      %mul3A_56 = arith.muli %mul3A_55, %scan3A_54 : i32
      %add3A_57 = arith.constant 1 : i32
      %add3A_58 = arith.addi %mul3A_56, %add3A_57 : i32
      %mul3A_59 = arith.constant 400 : i32
      %mul3A_60 = arith.muli %add3A_58, %mul3A_59 : i32
      %add3A_61 = arith.addi %mul3A_32, %mul3A_60 : i32
      %dma_start3A_62 = tpu.memref_slice %arg3[%add3A_61] : memref<1600000xi32, #tpu.memory_space<hbm>> -> memref<400xi32, #tpu.memory_space<hbm>>
      %dma_start3A_63 = tpu.memref_slice %arg3[%add3A_61] : memref<1600000xi32, #tpu.memory_space<hbm>> -> memref<400xi32, #tpu.memory_space<hbm>>
      tpu.enqueue_dma source(%dma_start3A_63 : memref<400xi32, #tpu.memory_space<hbm>>) target(%arg7 : memref<400xi32, #tpu.memory_space<vmem>>) target_semaphore(%arg16 : memref<!tpu.dma_semaphore, #tpu.memory_space<semaphore_mem>>)
      %dma_start3A_64 = arith.constant 0 : i32
      %dma_start3A_65 = tpu.memref_slice %arg2[%add3A_61, %dma_start3A_64] : memref<1600000x32xf32, #tpu.memory_space<hbm>> -> memref<400x32xf32, #tpu.memory_space<hbm>>
      %dma_start3A_66 = arith.constant 0 : i32
      %dma_start3A_67 = tpu.memref_slice %arg2[%add3A_61, %dma_start3A_66] : memref<1600000x32xf32, #tpu.memory_space<hbm>> -> memref<400x32xf32, #tpu.memory_space<hbm>>
      tpu.enqueue_dma source(%dma_start3A_67 : memref<400x32xf32, #tpu.memory_space<hbm>>) target(%arg10 : memref<400x32xf32, #tpu.memory_space<vmem>>) target_semaphore(%arg17 : memref<!tpu.dma_semaphore, #tpu.memory_space<semaphore_mem>>)
      %dma_wait3A = tpu.memref_slice %arg3[%mul3A_32] : memref<1600000xi32, #tpu.memory_space<hbm>> -> memref<400xi32, #tpu.memory_space<hbm>>
      %dma_wait3A_68 = tpu.memref_slice %arg3[%mul3A_32] : memref<1600000xi32, #tpu.memory_space<hbm>> -> memref<400xi32, #tpu.memory_space<hbm>>
      tpu.wait_dma2 semaphore(%arg14 : memref<!tpu.dma_semaphore, #tpu.memory_space<semaphore_mem>>) src(%dma_wait3A_68 : memref<400xi32, #tpu.memory_space<hbm>>) dst(%arg6 : memref<400xi32, #tpu.memory_space<vmem>>)
      %dma_wait3A_69 = arith.constant 0 : i32
      %dma_wait3A_70 = tpu.memref_slice %arg2[%mul3A_32, %dma_wait3A_69] : memref<1600000x32xf32, #tpu.memory_space<hbm>> -> memref<400x32xf32, #tpu.memory_space<hbm>>
      %dma_wait3A_71 = arith.constant 0 : i32
      %dma_wait3A_72 = tpu.memref_slice %arg2[%mul3A_32, %dma_wait3A_71] : memref<1600000x32xf32, #tpu.memory_space<hbm>> -> memref<400x32xf32, #tpu.memory_space<hbm>>
      tpu.wait_dma2 semaphore(%arg15 : memref<!tpu.dma_semaphore, #tpu.memory_space<semaphore_mem>>) src(%dma_wait3A_72 : memref<400x32xf32, #tpu.memory_space<hbm>>) dst(%arg9 : memref<400x32xf32, #tpu.memory_space<vmem>>)
      %scan3A_73 = arith.constant 0 : i32
      %scan3A_74 = arith.constant 0 : i32
      %scan3A_75 = arith.constant 25 : i32
      %scan3A_76 = arith.addi %scan3A_74, %scan3A_75 : i32
      %scan3A_77 = arith.constant 1 : i32
      scf.for %scan3A_96 = %scan3A_74 to %scan3A_76 step %scan3A_77  : i32 {
        %mul3A_97 = arith.constant 16 : i32
        %mul3A_98 = arith.muli %scan3A_96, %mul3A_97 : i32
        %get3A = arith.index_cast %mul3A_98 : i32 to index
        %get3A_99 = tpu.vector_load %arg6[%get3A] {strides = array<i32>} : memref<400xi32, #tpu.memory_space<vmem>>, vector<16xi32>,
        %get3A_100 = vector.shape_cast %get3A_99 : vector<16xi32> to vector<16xi32>
        %sub3A = vector.broadcast %mul3A_0 : i32 to vector<16xi32>
        %sub3A_101 = arith.subi %get3A_100, %sub3A : vector<16xi32>
        %ge3A = arith.constant 0 : i32
        %ge3A_102 = vector.broadcast %ge3A : i32 to vector<16xi32>
        %ge3A_103 = arith.cmpi sge, %sub3A_101, %ge3A_102 : vector<16xi32>
        %lt3A_104 = arith.constant 50000 : i32
        %lt3A_105 = vector.broadcast %lt3A_104 : i32 to vector<16xi32>
        %lt3A_106 = arith.cmpi slt, %sub3A_101, %lt3A_105 : vector<16xi32>
        %and3A = arith.andi %ge3A_103, %lt3A_106 : vector<16xi1>
        %and3A_107 = arith.constant 31 : i32
        %and3A_108 = vector.broadcast %and3A_107 : i32 to vector<16xi32>
        %and3A_109 = arith.andi %get3A_100, %and3A_108 : vector<16xi32>
        %add3A_110 = arith.constant 50000 : i32
        %add3A_111 = vector.broadcast %add3A_110 : i32 to vector<16xi32>
        %add3A_112 = arith.addi %add3A_111, %and3A_109 : vector<16xi32>
        %select_n3A = arith.select %and3A, %sub3A_101, %add3A_112 : vector<16xi1>, vector<16xi32>
        %mul3A_113 = arith.constant 16 : i32
        %mul3A_114 = arith.muli %scan3A_96, %mul3A_113 : i32
        %swap3A = arith.index_cast %mul3A_114 : i32 to index
        %swap3A_115 = tpu.vector_load %arg8[%swap3A] {strides = array<i32>} : memref<400xi32, #tpu.memory_space<vmem>>, vector<16xi32>,
        %swap3A_116 = vector.shape_cast %swap3A_115 : vector<16xi32> to vector<16xi32>
        %swap3A_117 = vector.shape_cast %select_n3A : vector<16xi32> to vector<16xi32>
        tpu.vector_store %arg8[%swap3A], %swap3A_117 {strides = array<i32>} : memref<400xi32, #tpu.memory_space<vmem>>, vector<16xi32>,
      }
      %scan3A_78 = arith.constant 25 : i32
      "tpu.region"() ({
        %run_scoped3A = tpu.sem_alloc : memref<!tpu.dma_semaphore, #tpu.memory_space<semaphore_mem>>
        %dma_start3A_96 = arith.constant 0 : i32
        %dma_start3A_97 = arith.constant 0 : i32
        %dma_start3A_98 = tpu.memref_slice %arg12[%dma_start3A_96, %dma_start3A_97] : memref<50048x32xf32, #tpu.memory_space<vmem_shared>> -> memref<50048x32xf32, #tpu.memory_space<vmem_shared>>
        tpu.enqueue_indirect_dma source(%arg9 : memref<400x32xf32, #tpu.memory_space<vmem>>) target(%dma_start3A_98 : memref<50048x32xf32, #tpu.memory_space<vmem_shared>>) offsets(%arg8 : memref<400xi32, #tpu.memory_space<vmem>>) semaphore(%run_scoped3A : memref<!tpu.dma_semaphore, #tpu.memory_space<semaphore_mem>>) {add = true}
        %dma_wait3A_99 = arith.constant 0 : i32
        %dma_wait3A_100 = arith.constant 0 : i32
        %dma_wait3A_101 = tpu.memref_slice %arg12[%dma_wait3A_99, %dma_wait3A_100] : memref<50048x32xf32, #tpu.memory_space<vmem_shared>> -> memref<50048x32xf32, #tpu.memory_space<vmem_shared>>
        tpu.wait_indirect_dma semaphore(%run_scoped3A : memref<!tpu.dma_semaphore, #tpu.memory_space<semaphore_mem>>) src(%arg9 : memref<400x32xf32, #tpu.memory_space<vmem>>) dst(%dma_wait3A_101 : memref<50048x32xf32, #tpu.memory_space<vmem_shared>>)
        tpu.yield
      }) : () -> ()
      "tpu.region"() ({
        %run_scoped3A = tpu.sem_alloc : memref<!tpu.dma_semaphore, #tpu.memory_space<semaphore_mem>>
        %dma_start3A_96 = arith.constant 0 : i32
        %dma_start3A_97 = tpu.memref_slice %arg13[%dma_start3A_96] : memref<50048xf32, #tpu.memory_space<vmem_shared>> -> memref<50048xf32, #tpu.memory_space<vmem_shared>>
        tpu.enqueue_indirect_dma source(%arg11 : memref<400xf32, #tpu.memory_space<vmem>>) target(%dma_start3A_97 : memref<50048xf32, #tpu.memory_space<vmem_shared>>) offsets(%arg8 : memref<400xi32, #tpu.memory_space<vmem>>) semaphore(%run_scoped3A : memref<!tpu.dma_semaphore, #tpu.memory_space<semaphore_mem>>) {add = true}
        %dma_wait3A_98 = arith.constant 0 : i32
        %dma_wait3A_99 = tpu.memref_slice %arg13[%dma_wait3A_98] : memref<50048xf32, #tpu.memory_space<vmem_shared>> -> memref<50048xf32, #tpu.memory_space<vmem_shared>>
        tpu.wait_indirect_dma semaphore(%run_scoped3A : memref<!tpu.dma_semaphore, #tpu.memory_space<semaphore_mem>>) src(%arg11 : memref<400xf32, #tpu.memory_space<vmem>>) dst(%dma_wait3A_99 : memref<50048xf32, #tpu.memory_space<vmem_shared>>)
        tpu.yield
      }) : () -> ()
      %lt3A_79 = arith.constant 124 : i32
      %lt3A_80 = arith.cmpi slt, %scan3A_54, %lt3A_79 : i32
      %convert_element_type3A_81 = arith.extui %lt3A_80 : i1 to i32
      %cond3A_82 = arith.constant 0 : i32
      %cond3A_83 = arith.cmpi ne, %convert_element_type3A_81, %cond3A_82 : i32
      scf.if %cond3A_83 {
        %mul3A_96 = arith.constant 2 : i32
        %mul3A_97 = arith.muli %mul3A_96, %scan3A_54 : i32
        %add3A_98 = arith.constant 2 : i32
        %add3A_99 = arith.addi %mul3A_97, %add3A_98 : i32
        %mul3A_100 = arith.constant 400 : i32
        %mul3A_101 = arith.muli %add3A_99, %mul3A_100 : i32
        %add3A_102 = arith.addi %mul3A_32, %mul3A_101 : i32
        %dma_start3A_103 = tpu.memref_slice %arg3[%add3A_102] : memref<1600000xi32, #tpu.memory_space<hbm>> -> memref<400xi32, #tpu.memory_space<hbm>>
        %dma_start3A_104 = tpu.memref_slice %arg3[%add3A_102] : memref<1600000xi32, #tpu.memory_space<hbm>> -> memref<400xi32, #tpu.memory_space<hbm>>
        tpu.enqueue_dma source(%dma_start3A_104 : memref<400xi32, #tpu.memory_space<hbm>>) target(%arg6 : memref<400xi32, #tpu.memory_space<vmem>>) target_semaphore(%arg14 : memref<!tpu.dma_semaphore, #tpu.memory_space<semaphore_mem>>)
        %dma_start3A_105 = arith.constant 0 : i32
        %dma_start3A_106 = tpu.memref_slice %arg2[%add3A_102, %dma_start3A_105] : memref<1600000x32xf32, #tpu.memory_space<hbm>> -> memref<400x32xf32, #tpu.memory_space<hbm>>
        %dma_start3A_107 = arith.constant 0 : i32
        %dma_start3A_108 = tpu.memref_slice %arg2[%add3A_102, %dma_start3A_107] : memref<1600000x32xf32, #tpu.memory_space<hbm>> -> memref<400x32xf32, #tpu.memory_space<hbm>>
        tpu.enqueue_dma source(%dma_start3A_108 : memref<400x32xf32, #tpu.memory_space<hbm>>) target(%arg9 : memref<400x32xf32, #tpu.memory_space<vmem>>) target_semaphore(%arg15 : memref<!tpu.dma_semaphore, #tpu.memory_space<semaphore_mem>>)
      } else {
      }
      %dma_wait3A_84 = tpu.memref_slice %arg3[%add3A_61] : memref<1600000xi32, #tpu.memory_space<hbm>> -> memref<400xi32, #tpu.memory_space<hbm>>
      %dma_wait3A_85 = tpu.memref_slice %arg3[%add3A_61] : memref<1600000xi32, #tpu.memory_space<hbm>> -> memref<400xi32, #tpu.memory_space<hbm>>
      tpu.wait_dma2 semaphore(%arg16 : memref<!tpu.dma_semaphore, #tpu.memory_space<semaphore_mem>>) src(%dma_wait3A_85 : memref<400xi32, #tpu.memory_space<hbm>>) dst(%arg7 : memref<400xi32, #tpu.memory_space<vmem>>)
      %dma_wait3A_86 = arith.constant 0 : i32
      %dma_wait3A_87 = tpu.memref_slice %arg2[%add3A_61, %dma_wait3A_86] : memref<1600000x32xf32, #tpu.memory_space<hbm>> -> memref<400x32xf32, #tpu.memory_space<hbm>>
      %dma_wait3A_88 = arith.constant 0 : i32
      %dma_wait3A_89 = tpu.memref_slice %arg2[%add3A_61, %dma_wait3A_88] : memref<1600000x32xf32, #tpu.memory_space<hbm>> -> memref<400x32xf32, #tpu.memory_space<hbm>>
      tpu.wait_dma2 semaphore(%arg17 : memref<!tpu.dma_semaphore, #tpu.memory_space<semaphore_mem>>) src(%dma_wait3A_89 : memref<400x32xf32, #tpu.memory_space<hbm>>) dst(%arg10 : memref<400x32xf32, #tpu.memory_space<vmem>>)
      %scan3A_90 = arith.constant 0 : i32
      %scan3A_91 = arith.constant 0 : i32
      %scan3A_92 = arith.constant 25 : i32
      %scan3A_93 = arith.addi %scan3A_91, %scan3A_92 : i32
      %scan3A_94 = arith.constant 1 : i32
      scf.for %scan3A_96 = %scan3A_91 to %scan3A_93 step %scan3A_94  : i32 {
        %mul3A_97 = arith.constant 16 : i32
        %mul3A_98 = arith.muli %scan3A_96, %mul3A_97 : i32
        %get3A = arith.index_cast %mul3A_98 : i32 to index
        %get3A_99 = tpu.vector_load %arg7[%get3A] {strides = array<i32>} : memref<400xi32, #tpu.memory_space<vmem>>, vector<16xi32>,
        %get3A_100 = vector.shape_cast %get3A_99 : vector<16xi32> to vector<16xi32>
        %sub3A = vector.broadcast %mul3A_0 : i32 to vector<16xi32>
        %sub3A_101 = arith.subi %get3A_100, %sub3A : vector<16xi32>
        %ge3A = arith.constant 0 : i32
        %ge3A_102 = vector.broadcast %ge3A : i32 to vector<16xi32>
        %ge3A_103 = arith.cmpi sge, %sub3A_101, %ge3A_102 : vector<16xi32>
        %lt3A_104 = arith.constant 50000 : i32
        %lt3A_105 = vector.broadcast %lt3A_104 : i32 to vector<16xi32>
        %lt3A_106 = arith.cmpi slt, %sub3A_101, %lt3A_105 : vector<16xi32>
        %and3A = arith.andi %ge3A_103, %lt3A_106 : vector<16xi1>
        %and3A_107 = arith.constant 31 : i32
        %and3A_108 = vector.broadcast %and3A_107 : i32 to vector<16xi32>
        %and3A_109 = arith.andi %get3A_100, %and3A_108 : vector<16xi32>
        %add3A_110 = arith.constant 50000 : i32
        %add3A_111 = vector.broadcast %add3A_110 : i32 to vector<16xi32>
        %add3A_112 = arith.addi %add3A_111, %and3A_109 : vector<16xi32>
        %select_n3A = arith.select %and3A, %sub3A_101, %add3A_112 : vector<16xi1>, vector<16xi32>
        %mul3A_113 = arith.constant 16 : i32
        %mul3A_114 = arith.muli %scan3A_96, %mul3A_113 : i32
        %swap3A = arith.index_cast %mul3A_114 : i32 to index
        %swap3A_115 = tpu.vector_load %arg8[%swap3A] {strides = array<i32>} : memref<400xi32, #tpu.memory_space<vmem>>, vector<16xi32>,
        %swap3A_116 = vector.shape_cast %swap3A_115 : vector<16xi32> to vector<16xi32>
        %swap3A_117 = vector.shape_cast %select_n3A : vector<16xi32> to vector<16xi32>
        tpu.vector_store %arg8[%swap3A], %swap3A_117 {strides = array<i32>} : memref<400xi32, #tpu.memory_space<vmem>>, vector<16xi32>,
      }
      %scan3A_95 = arith.constant 25 : i32
      "tpu.region"() ({
        %run_scoped3A = tpu.sem_alloc : memref<!tpu.dma_semaphore, #tpu.memory_space<semaphore_mem>>
        %dma_start3A_96 = arith.constant 0 : i32
        %dma_start3A_97 = arith.constant 0 : i32
        %dma_start3A_98 = tpu.memref_slice %arg12[%dma_start3A_96, %dma_start3A_97] : memref<50048x32xf32, #tpu.memory_space<vmem_shared>> -> memref<50048x32xf32, #tpu.memory_space<vmem_shared>>
        tpu.enqueue_indirect_dma source(%arg10 : memref<400x32xf32, #tpu.memory_space<vmem>>) target(%dma_start3A_98 : memref<50048x32xf32, #tpu.memory_space<vmem_shared>>) offsets(%arg8 : memref<400xi32, #tpu.memory_space<vmem>>) semaphore(%run_scoped3A : memref<!tpu.dma_semaphore, #tpu.memory_space<semaphore_mem>>) {add = true}
        %dma_wait3A_99 = arith.constant 0 : i32
        %dma_wait3A_100 = arith.constant 0 : i32
        %dma_wait3A_101 = tpu.memref_slice %arg12[%dma_wait3A_99, %dma_wait3A_100] : memref<50048x32xf32, #tpu.memory_space<vmem_shared>> -> memref<50048x32xf32, #tpu.memory_space<vmem_shared>>
        tpu.wait_indirect_dma semaphore(%run_scoped3A : memref<!tpu.dma_semaphore, #tpu.memory_space<semaphore_mem>>) src(%arg10 : memref<400x32xf32, #tpu.memory_space<vmem>>) dst(%dma_wait3A_101 : memref<50048x32xf32, #tpu.memory_space<vmem_shared>>)
        tpu.yield
      }) : () -> ()
      "tpu.region"() ({
        %run_scoped3A = tpu.sem_alloc : memref<!tpu.dma_semaphore, #tpu.memory_space<semaphore_mem>>
        %dma_start3A_96 = arith.constant 0 : i32
        %dma_start3A_97 = tpu.memref_slice %arg13[%dma_start3A_96] : memref<50048xf32, #tpu.memory_space<vmem_shared>> -> memref<50048xf32, #tpu.memory_space<vmem_shared>>
        tpu.enqueue_indirect_dma source(%arg11 : memref<400xf32, #tpu.memory_space<vmem>>) target(%dma_start3A_97 : memref<50048xf32, #tpu.memory_space<vmem_shared>>) offsets(%arg8 : memref<400xi32, #tpu.memory_space<vmem>>) semaphore(%run_scoped3A : memref<!tpu.dma_semaphore, #tpu.memory_space<semaphore_mem>>) {add = true}
        %dma_wait3A_98 = arith.constant 0 : i32
        %dma_wait3A_99 = tpu.memref_slice %arg13[%dma_wait3A_98] : memref<50048xf32, #tpu.memory_space<vmem_shared>> -> memref<50048xf32, #tpu.memory_space<vmem_shared>>
        tpu.wait_indirect_dma semaphore(%run_scoped3A : memref<!tpu.dma_semaphore, #tpu.memory_space<semaphore_mem>>) src(%arg11 : memref<400xf32, #tpu.memory_space<vmem>>) dst(%dma_wait3A_99 : memref<50048xf32, #tpu.memory_space<vmem_shared>>)
        tpu.yield
      }) : () -> ()
    }
    %scan3A_43 = arith.constant 125 : i32
    %barrier3A_44 = arith.constant 0 : index
    tpu.barrier barrier_id(%barrier3A_44)
    %mul3A_45 = arith.constant 3128 : i32
    %mul3A_46 = arith.muli %arg1, %mul3A_45 : i32
    %add3A_47 = arith.addi %mul3A_0, %mul3A_46 : i32
    %lt3A = arith.constant 15 : i32
    %lt3A_48 = arith.cmpi slt, %arg1, %lt3A : i32
    %convert_element_type3A = arith.extui %lt3A_48 : i1 to i32
    %cond3A = arith.constant 0 : i32
    %cond3A_49 = arith.cmpi ne, %convert_element_type3A, %cond3A : i32
    scf.if %cond3A_49 {
      %mul3A_54 = arith.constant 3128 : i32
      %mul3A_55 = arith.muli %arg1, %mul3A_54 : i32
      "tpu.region"() ({
        %run_scoped3A = tpu.sem_alloc : memref<!tpu.dma_semaphore, #tpu.memory_space<semaphore_mem>>
        %dma_start3A_58 = arith.constant 0 : i32
        %dma_start3A_59 = tpu.memref_slice %arg4[%add3A_47, %dma_start3A_58] : memref<100000x32xf32, #tpu.memory_space<hbm>> -> memref<3128x32xf32, #tpu.memory_space<hbm>>
        %dma_start3A_60 = arith.constant 0 : i32
        %dma_start3A_61 = tpu.memref_slice %arg12[%mul3A_55, %dma_start3A_60] : memref<50048x32xf32, #tpu.memory_space<vmem_shared>> -> memref<3128x32xf32, #tpu.memory_space<vmem_shared>>
        tpu.enqueue_dma source(%dma_start3A_61 : memref<3128x32xf32, #tpu.memory_space<vmem_shared>>) target(%dma_start3A_59 : memref<3128x32xf32, #tpu.memory_space<hbm>>) target_semaphore(%run_scoped3A : memref<!tpu.dma_semaphore, #tpu.memory_space<semaphore_mem>>)
        %dma_wait3A = arith.constant 0 : i32
        %dma_wait3A_62 = tpu.memref_slice %arg4[%add3A_47, %dma_wait3A] : memref<100000x32xf32, #tpu.memory_space<hbm>> -> memref<3128x32xf32, #tpu.memory_space<hbm>>
        %dma_wait3A_63 = arith.constant 0 : i32
        %dma_wait3A_64 = tpu.memref_slice %arg12[%mul3A_55, %dma_wait3A_63] : memref<50048x32xf32, #tpu.memory_space<vmem_shared>> -> memref<3128x32xf32, #tpu.memory_space<vmem_shared>>
        tpu.wait_dma2 semaphore(%run_scoped3A : memref<!tpu.dma_semaphore, #tpu.memory_space<semaphore_mem>>) src(%dma_wait3A_64 : memref<3128x32xf32, #tpu.memory_space<vmem_shared>>) dst(%dma_wait3A_62 : memref<3128x32xf32, #tpu.memory_space<hbm>>)
        tpu.yield
      }) : () -> ()
      %mul3A_56 = arith.constant 3128 : i32
      %mul3A_57 = arith.muli %arg1, %mul3A_56 : i32
      "tpu.region"() ({
        %run_scoped3A = tpu.sem_alloc : memref<!tpu.dma_semaphore, #tpu.memory_space<semaphore_mem>>
        %dma_start3A_58 = tpu.memref_slice %arg5[%add3A_47] : memref<100000xf32, #tpu.memory_space<hbm>> -> memref<3128xf32, #tpu.memory_space<hbm>>
        %dma_start3A_59 = tpu.memref_slice %arg13[%mul3A_57] : memref<50048xf32, #tpu.memory_space<vmem_shared>> -> memref<3128xf32, #tpu.memory_space<vmem_shared>>
        tpu.enqueue_dma source(%dma_start3A_59 : memref<3128xf32, #tpu.memory_space<vmem_shared>>) target(%dma_start3A_58 : memref<3128xf32, #tpu.memory_space<hbm>>) target_semaphore(%run_scoped3A : memref<!tpu.dma_semaphore, #tpu.memory_space<semaphore_mem>>)
        %dma_wait3A = tpu.memref_slice %arg5[%add3A_47] : memref<100000xf32, #tpu.memory_space<hbm>> -> memref<3128xf32, #tpu.memory_space<hbm>>
        %dma_wait3A_60 = tpu.memref_slice %arg13[%mul3A_57] : memref<50048xf32, #tpu.memory_space<vmem_shared>> -> memref<3128xf32, #tpu.memory_space<vmem_shared>>
        tpu.wait_dma2 semaphore(%run_scoped3A : memref<!tpu.dma_semaphore, #tpu.memory_space<semaphore_mem>>) src(%dma_wait3A_60 : memref<3128xf32, #tpu.memory_space<vmem_shared>>) dst(%dma_wait3A : memref<3128xf32, #tpu.memory_space<hbm>>)
        tpu.yield
      }) : () -> ()
    } else {
    }
    %eq3A = arith.constant 15 : i32
    %eq3A_50 = arith.cmpi eq, %arg1, %eq3A : i32
    %convert_element_type3A_51 = arith.extui %eq3A_50 : i1 to i32
    %cond3A_52 = arith.constant 0 : i32
    %cond3A_53 = arith.cmpi ne, %convert_element_type3A_51, %cond3A_52 : i32
    scf.if %cond3A_53 {
      %mul3A_54 = arith.constant 3128 : i32
      %mul3A_55 = arith.muli %arg1, %mul3A_54 : i32
      "tpu.region"() ({
        %run_scoped3A = tpu.sem_alloc : memref<!tpu.dma_semaphore, #tpu.memory_space<semaphore_mem>>
        %dma_start3A_58 = arith.constant 0 : i32
        %dma_start3A_59 = tpu.memref_slice %arg4[%add3A_47, %dma_start3A_58] : memref<100000x32xf32, #tpu.memory_space<hbm>> -> memref<3080x32xf32, #tpu.memory_space<hbm>>
        %dma_start3A_60 = arith.constant 0 : i32
        %dma_start3A_61 = tpu.memref_slice %arg12[%mul3A_55, %dma_start3A_60] : memref<50048x32xf32, #tpu.memory_space<vmem_shared>> -> memref<3080x32xf32, #tpu.memory_space<vmem_shared>>
        tpu.enqueue_dma source(%dma_start3A_61 : memref<3080x32xf32, #tpu.memory_space<vmem_shared>>) target(%dma_start3A_59 : memref<3080x32xf32, #tpu.memory_space<hbm>>) target_semaphore(%run_scoped3A : memref<!tpu.dma_semaphore, #tpu.memory_space<semaphore_mem>>)
        %dma_wait3A = arith.constant 0 : i32
        %dma_wait3A_62 = tpu.memref_slice %arg4[%add3A_47, %dma_wait3A] : memref<100000x32xf32, #tpu.memory_space<hbm>> -> memref<3080x32xf32, #tpu.memory_space<hbm>>
        %dma_wait3A_63 = arith.constant 0 : i32
        %dma_wait3A_64 = tpu.memref_slice %arg12[%mul3A_55, %dma_wait3A_63] : memref<50048x32xf32, #tpu.memory_space<vmem_shared>> -> memref<3080x32xf32, #tpu.memory_space<vmem_shared>>
        tpu.wait_dma2 semaphore(%run_scoped3A : memref<!tpu.dma_semaphore, #tpu.memory_space<semaphore_mem>>) src(%dma_wait3A_64 : memref<3080x32xf32, #tpu.memory_space<vmem_shared>>) dst(%dma_wait3A_62 : memref<3080x32xf32, #tpu.memory_space<hbm>>)
        tpu.yield
      }) : () -> ()
      %mul3A_56 = arith.constant 3128 : i32
      %mul3A_57 = arith.muli %arg1, %mul3A_56 : i32
      "tpu.region"() ({
        %run_scoped3A = tpu.sem_alloc : memref<!tpu.dma_semaphore, #tpu.memory_space<semaphore_mem>>
        %dma_start3A_58 = tpu.memref_slice %arg5[%add3A_47] : memref<100000xf32, #tpu.memory_space<hbm>> -> memref<3080xf32, #tpu.memory_space<hbm>>
        %dma_start3A_59 = tpu.memref_slice %arg13[%mul3A_57] : memref<50048xf32, #tpu.memory_space<vmem_shared>> -> memref<3080xf32, #tpu.memory_space<vmem_shared>>
        tpu.enqueue_dma source(%dma_start3A_59 : memref<3080xf32, #tpu.memory_space<vmem_shared>>) target(%dma_start3A_58 : memref<3080xf32, #tpu.memory_space<hbm>>) target_semaphore(%run_scoped3A : memref<!tpu.dma_semaphore, #tpu.memory_space<semaphore_mem>>)
        %dma_wait3A = tpu.memref_slice %arg5[%add3A_47] : memref<100000xf32, #tpu.memory_space<hbm>> -> memref<3080xf32, #tpu.memory_space<hbm>>
        %dma_wait3A_60 = tpu.memref_slice %arg13[%mul3A_57] : memref<50048xf32, #tpu.memory_space<vmem_shared>> -> memref<3080xf32, #tpu.memory_space<vmem_shared>>
        tpu.wait_dma2 semaphore(%run_scoped3A : memref<!tpu.dma_semaphore, #tpu.memory_space<semaphore_mem>>) src(%dma_wait3A_60 : memref<3080xf32, #tpu.memory_space<vmem_shared>>) dst(%dma_wait3A : memref<3080xf32, #tpu.memory_space<hbm>>)
        tpu.yield
      }) : () -> ()
    } else {
    }
    return
  }
}

module attributes {stable_mosaic.version = 14 : i64} {
  func.func @_edge_body(%arg0: i32, %arg1: memref<1600x128xf32, #tpu.memory_space<vmem>>, %arg2: memref<1600x128xf32, #tpu.memory_space<vmem>>, %arg3: memref<1600x128xf32, #tpu.memory_space<vmem>>, %arg4: memref<1x32xf32, #tpu.memory_space<vmem>>, %arg5: memref<128x256xf32, #tpu.memory_space<vmem>>, %arg6: memref<128x256xf32, #tpu.memory_space<vmem>>, %arg7: memref<128x256xf32, #tpu.memory_space<vmem>>, %arg8: memref<32x64xf32, #tpu.memory_space<vmem>>, %arg9: memref<1x64xf32, #tpu.memory_space<vmem>>, %arg10: memref<1x256xf32, #tpu.memory_space<vmem>>, %arg11: memref<1x128xf32, #tpu.memory_space<vmem>>, %arg12: memref<256x256xf32, #tpu.memory_space<vmem>>, %arg13: memref<256x128xf32, #tpu.memory_space<vmem>>, %arg14: memref<1600x128xf32, #tpu.memory_space<vmem>>, %arg15: memref<8x128xf32, #tpu.memory_space<vmem>>) attributes {dimension_semantics = [#tpu.dimension_semantics<arbitrary>], iteration_bounds = array<i64: 250>, scalar_prefetch = 0 : i64, scratch_operands = 0 : i64, tpu.core_type = #tpu.core_type<tc>, window_params = [{transform_indices = @transform_0, window_bounds = array<i64: 1600, 128>}, {transform_indices = @transform_1, window_bounds = array<i64: 1600, 128>}, {transform_indices = @transform_2, window_bounds = array<i64: 1600, 128>}, {pipeline_mode = #tpu.pipeline_mode<synchronous>, transform_indices = @transform_3, window_bounds = array<i64: 1, 32>}, {pipeline_mode = #tpu.pipeline_mode<synchronous>, transform_indices = @transform_4, window_bounds = array<i64: 128, 256>}, {pipeline_mode = #tpu.pipeline_mode<synchronous>, transform_indices = @transform_5, window_bounds = array<i64: 128, 256>}, {pipeline_mode = #tpu.pipeline_mode<synchronous>, transform_indices = @transform_6, window_bounds = array<i64: 128, 256>}, {pipeline_mode = #tpu.pipeline_mode<synchronous>, transform_indices = @transform_7, window_bounds = array<i64: 32, 64>}, {pipeline_mode = #tpu.pipeline_mode<synchronous>, transform_indices = @transform_8, window_bounds = array<i64: 1, 64>}, {pipeline_mode = #tpu.pipeline_mode<synchronous>, transform_indices = @transform_9, window_bounds = array<i64: 1, 256>}, {pipeline_mode = #tpu.pipeline_mode<synchronous>, transform_indices = @transform_10, window_bounds = array<i64: 1, 128>}, {pipeline_mode = #tpu.pipeline_mode<synchronous>, transform_indices = @transform_11, window_bounds = array<i64: 256, 256>}, {pipeline_mode = #tpu.pipeline_mode<synchronous>, transform_indices = @transform_12, window_bounds = array<i64: 256, 128>}, {transform_indices = @transform_13, window_bounds = array<i64: 1600, 128>}, {pipeline_mode = #tpu.pipeline_mode<synchronous>, transform_indices = @transform_14, window_bounds = array<i64: 8, 128>}]} {
    %get3A = arith.constant 0 : index
    %get3A_0 = arith.constant 0 : index
    %get3A_1 = vector.load %arg4[%get3A, %get3A_0] : memref<1x32xf32, #tpu.memory_space<vmem>>, vector<1x32xf32>
    %get3A_2 = arith.constant 0 : index
    %get3A_3 = arith.constant 0 : index
    %get3A_4 = vector.load %arg8[%get3A_2, %get3A_3] : memref<32x64xf32, #tpu.memory_space<vmem>>, vector<32x64xf32>
    %dot_general3A = arith.constant dense<0.000000e+00> : vector<1x64xf32>
    %dot_general3A_5 = tpu.matmul %get3A_1, %get3A_4, %dot_general3A {dimension_numbers = #tpu.dot_dimension_numbers<[1], [0], [0], [1], [0, 0, 1, 1], [], []>, transpose_lhs_hint = false} : vector<1x32xf32>, vector<32x64xf32>, vector<1x64xf32> -> vector<1x64xf32>
    %get3A_6 = arith.constant 0 : index
    %get3A_7 = arith.constant 0 : index
    %get3A_8 = vector.load %arg9[%get3A_6, %get3A_7] : memref<1x64xf32, #tpu.memory_space<vmem>>, vector<1x64xf32>
    %add3A = arith.addf %dot_general3A_5, %get3A_8 : vector<1x64xf32>
    %concatenate3A = tpu.concatenate %add3A, %add3A, %add3A, %add3A in 1 : vector<1x64xf32>, vector<1x64xf32>, vector<1x64xf32>, vector<1x64xf32> -> vector<1x256xf32>
    %get3A_9 = arith.constant 0 : index
    %get3A_10 = arith.constant 0 : index
    %get3A_11 = vector.load %arg1[%get3A_9, %get3A_10] : memref<1600x128xf32, #tpu.memory_space<vmem>>, vector<1600x128xf32>
    %get3A_12 = arith.constant 0 : index
    %get3A_13 = arith.constant 0 : index
    %get3A_14 = vector.load %arg5[%get3A_12, %get3A_13] : memref<128x256xf32, #tpu.memory_space<vmem>>, vector<128x256xf32>
    %dot_general3A_15 = arith.constant dense<0.000000e+00> : vector<1600x256xf32>
    %dot_general3A_16 = tpu.matmul %get3A_11, %get3A_14, %dot_general3A_15 {dimension_numbers = #tpu.dot_dimension_numbers<[1], [0], [0], [1], [0, 0, 1, 1], [], []>, transpose_lhs_hint = false} : vector<1600x128xf32>, vector<128x256xf32>, vector<1600x256xf32> -> vector<1600x256xf32>
    %get3A_17 = arith.constant 0 : index
    %get3A_18 = arith.constant 0 : index
    %get3A_19 = vector.load %arg2[%get3A_17, %get3A_18] : memref<1600x128xf32, #tpu.memory_space<vmem>>, vector<1600x128xf32>
    %get3A_20 = arith.constant 0 : index
    %get3A_21 = arith.constant 0 : index
    %get3A_22 = vector.load %arg6[%get3A_20, %get3A_21] : memref<128x256xf32, #tpu.memory_space<vmem>>, vector<128x256xf32>
    %dot_general3A_23 = arith.constant dense<0.000000e+00> : vector<1600x256xf32>
    %dot_general3A_24 = tpu.matmul %get3A_19, %get3A_22, %dot_general3A_23 {dimension_numbers = #tpu.dot_dimension_numbers<[1], [0], [0], [1], [0, 0, 1, 1], [], []>, transpose_lhs_hint = false} : vector<1600x128xf32>, vector<128x256xf32>, vector<1600x256xf32> -> vector<1600x256xf32>
    %add3A_25 = arith.addf %dot_general3A_16, %dot_general3A_24 : vector<1600x256xf32>
    %get3A_26 = arith.constant 0 : index
    %get3A_27 = arith.constant 0 : index
    %get3A_28 = vector.load %arg3[%get3A_26, %get3A_27] : memref<1600x128xf32, #tpu.memory_space<vmem>>, vector<1600x128xf32>
    %get3A_29 = arith.constant 0 : index
    %get3A_30 = arith.constant 0 : index
    %get3A_31 = vector.load %arg7[%get3A_29, %get3A_30] : memref<128x256xf32, #tpu.memory_space<vmem>>, vector<128x256xf32>
    %dot_general3A_32 = arith.constant dense<0.000000e+00> : vector<1600x256xf32>
    %dot_general3A_33 = tpu.matmul %get3A_28, %get3A_31, %dot_general3A_32 {dimension_numbers = #tpu.dot_dimension_numbers<[1], [0], [0], [1], [0, 0, 1, 1], [], []>, transpose_lhs_hint = false} : vector<1600x128xf32>, vector<128x256xf32>, vector<1600x256xf32> -> vector<1600x256xf32>
    %add3A_34 = arith.addf %add3A_25, %dot_general3A_33 : vector<1600x256xf32>
    %add3A_35 = vector.broadcast %concatenate3A : vector<1x256xf32> to vector<1600x256xf32>
    %add3A_36 = arith.addf %add3A_34, %add3A_35 : vector<1600x256xf32>
    %max3A = arith.constant 0.000000e+00 : f32
    %max3A_37 = vector.broadcast %max3A : f32 to vector<1600x256xf32>
    %max3A_38 = arith.maximumf %add3A_36, %max3A_37 : vector<1600x256xf32>
    %abs3A = math.absf %add3A_36 : vector<1600x256xf32>
    %neg3A = arith.constant 0.000000e+00 : f32
    %neg3A_39 = vector.broadcast %neg3A : f32 to vector<1600x256xf32>
    %neg3A_40 = arith.subf %neg3A_39, %abs3A : vector<1600x256xf32>
    %exp3A = math.exp %neg3A_40 : vector<1600x256xf32>
    %add3A_41 = arith.constant 1.000000e+00 : f32
    %add3A_42 = vector.broadcast %add3A_41 : f32 to vector<1600x256xf32>
    %add3A_43 = arith.addf %add3A_42, %exp3A : vector<1600x256xf32>
    %log3A = math.log %add3A_43 : vector<1600x256xf32>
    %add3A_44 = arith.addf %max3A_38, %log3A : vector<1600x256xf32>
    %get3A_45 = arith.constant 0 : index
    %get3A_46 = arith.constant 0 : index
    %get3A_47 = vector.load %arg12[%get3A_45, %get3A_46] : memref<256x256xf32, #tpu.memory_space<vmem>>, vector<256x256xf32>
    %dot_general3A_48 = arith.constant dense<0.000000e+00> : vector<1600x256xf32>
    %dot_general3A_49 = tpu.matmul %add3A_44, %get3A_47, %dot_general3A_48 {dimension_numbers = #tpu.dot_dimension_numbers<[1], [0], [0], [1], [0, 0, 1, 1], [], []>, transpose_lhs_hint = false} : vector<1600x256xf32>, vector<256x256xf32>, vector<1600x256xf32> -> vector<1600x256xf32>
    %get3A_50 = arith.constant 0 : index
    %get3A_51 = arith.constant 0 : index
    %get3A_52 = vector.load %arg10[%get3A_50, %get3A_51] : memref<1x256xf32, #tpu.memory_space<vmem>>, vector<1x256xf32>
    %add3A_53 = vector.broadcast %get3A_52 : vector<1x256xf32> to vector<1600x256xf32>
    %add3A_54 = arith.addf %dot_general3A_49, %add3A_53 : vector<1600x256xf32>
    %max3A_55 = arith.constant 0.000000e+00 : f32
    %max3A_56 = vector.broadcast %max3A_55 : f32 to vector<1600x256xf32>
    %max3A_57 = arith.maximumf %add3A_54, %max3A_56 : vector<1600x256xf32>
    %abs3A_58 = math.absf %add3A_54 : vector<1600x256xf32>
    %neg3A_59 = arith.constant 0.000000e+00 : f32
    %neg3A_60 = vector.broadcast %neg3A_59 : f32 to vector<1600x256xf32>
    %neg3A_61 = arith.subf %neg3A_60, %abs3A_58 : vector<1600x256xf32>
    %exp3A_62 = math.exp %neg3A_61 : vector<1600x256xf32>
    %add3A_63 = arith.constant 1.000000e+00 : f32
    %add3A_64 = vector.broadcast %add3A_63 : f32 to vector<1600x256xf32>
    %add3A_65 = arith.addf %add3A_64, %exp3A_62 : vector<1600x256xf32>
    %log3A_66 = math.log %add3A_65 : vector<1600x256xf32>
    %add3A_67 = arith.addf %max3A_57, %log3A_66 : vector<1600x256xf32>
    %get3A_68 = arith.constant 0 : index
    %get3A_69 = arith.constant 0 : index
    %get3A_70 = vector.load %arg13[%get3A_68, %get3A_69] : memref<256x128xf32, #tpu.memory_space<vmem>>, vector<256x128xf32>
    %dot_general3A_71 = arith.constant dense<0.000000e+00> : vector<1600x128xf32>
    %dot_general3A_72 = tpu.matmul %add3A_67, %get3A_70, %dot_general3A_71 {dimension_numbers = #tpu.dot_dimension_numbers<[1], [0], [0], [1], [0, 0, 1, 1], [], []>, transpose_lhs_hint = false} : vector<1600x256xf32>, vector<256x128xf32>, vector<1600x128xf32> -> vector<1600x128xf32>
    %get3A_73 = arith.constant 0 : index
    %get3A_74 = arith.constant 0 : index
    %get3A_75 = vector.load %arg11[%get3A_73, %get3A_74] : memref<1x128xf32, #tpu.memory_space<vmem>>, vector<1x128xf32>
    %add3A_76 = vector.broadcast %get3A_75 : vector<1x128xf32> to vector<1600x128xf32>
    %add3A_77 = arith.addf %dot_general3A_72, %add3A_76 : vector<1600x128xf32>
    %max3A_78 = arith.constant 0.000000e+00 : f32
    %max3A_79 = vector.broadcast %max3A_78 : f32 to vector<1600x128xf32>
    %max3A_80 = arith.maximumf %add3A_77, %max3A_79 : vector<1600x128xf32>
    %abs3A_81 = math.absf %add3A_77 : vector<1600x128xf32>
    %neg3A_82 = arith.constant 0.000000e+00 : f32
    %neg3A_83 = vector.broadcast %neg3A_82 : f32 to vector<1600x128xf32>
    %neg3A_84 = arith.subf %neg3A_83, %abs3A_81 : vector<1600x128xf32>
    %exp3A_85 = math.exp %neg3A_84 : vector<1600x128xf32>
    %add3A_86 = arith.constant 1.000000e+00 : f32
    %add3A_87 = vector.broadcast %add3A_86 : f32 to vector<1600x128xf32>
    %add3A_88 = arith.addf %add3A_87, %exp3A_85 : vector<1600x128xf32>
    %log3A_89 = math.log %add3A_88 : vector<1600x128xf32>
    %add3A_90 = arith.addf %max3A_80, %log3A_89 : vector<1600x128xf32>
    %swap3A = arith.constant 0 : index
    %swap3A_91 = arith.constant 0 : index
    %swap3A_92 = vector.load %arg14[%swap3A, %swap3A_91] : memref<1600x128xf32, #tpu.memory_space<vmem>>, vector<1600x128xf32>
    tpu.vector_store %arg14[%swap3A, %swap3A_91], %add3A_90 {strides = array<i32>} : memref<1600x128xf32, #tpu.memory_space<vmem>>, vector<1600x128xf32>,
    %eq3A = arith.constant 0 : i32
    %eq3A_93 = arith.cmpi eq, %arg0, %eq3A : i32
    %convert_element_type3A = arith.extui %eq3A_93 : i1 to i32
    %cond3A = arith.constant 0 : i32
    %cond3A_94 = arith.cmpi ne, %convert_element_type3A, %cond3A : i32
    scf.if %cond3A_94 {
      %broadcast_in_dim3A = arith.constant 0.000000e+00 : f32
      %broadcast_in_dim3A_103 = vector.broadcast %broadcast_in_dim3A : f32 to vector<8x128xf32>
      %swap3A_104 = arith.constant 0 : index
      %swap3A_105 = arith.constant 0 : index
      %swap3A_106 = vector.load %arg15[%swap3A_104, %swap3A_105] : memref<8x128xf32, #tpu.memory_space<vmem>>, vector<8x128xf32>
      tpu.vector_store %arg15[%swap3A_104, %swap3A_105], %broadcast_in_dim3A_103 {strides = array<i32>} : memref<8x128xf32, #tpu.memory_space<vmem>>, vector<8x128xf32>,
    } else {
    }
    %get3A_95 = arith.constant 0 : index
    %get3A_96 = arith.constant 0 : index
    %get3A_97 = vector.load %arg15[%get3A_95, %get3A_96] : memref<8x128xf32, #tpu.memory_space<vmem>>, vector<8x128xf32>
    %reshape3A = vector.shape_cast %add3A_90 : vector<1600x128xf32> to vector<8x200x128xf32>
    %reduce_sum3A = arith.constant dense<0.000000e+00> : vector<8x128xf32>
    %reduce_sum3A_98 = vector.multi_reduction <add>, %reshape3A, %reduce_sum3A [1] : vector<8x200x128xf32> to vector<8x128xf32>
    %add3A_99 = arith.addf %get3A_97, %reduce_sum3A_98 : vector<8x128xf32>
    %swap3A_100 = arith.constant 0 : index
    %swap3A_101 = arith.constant 0 : index
    %swap3A_102 = vector.load %arg15[%swap3A_100, %swap3A_101] : memref<8x128xf32, #tpu.memory_space<vmem>>, vector<8x128xf32>
    tpu.vector_store %arg15[%swap3A_100, %swap3A_101], %add3A_99 {strides = array<i32>} : memref<8x128xf32, #tpu.memory_space<vmem>>, vector<8x128xf32>,
    return
  }
  func.func @transform_0(%arg0: i32) -> (i32, i32) {
    %c0_i32 = arith.constant 0 : i32
    %c0_i32_0 = arith.constant 0 : i32
    return %arg0, %c0_i32 : i32, i32
  }
  func.func @transform_1(%arg0: i32) -> (i32, i32) {
    %c0_i32 = arith.constant 0 : i32
    %c0_i32_0 = arith.constant 0 : i32
    return %arg0, %c0_i32 : i32, i32
  }
  func.func @transform_2(%arg0: i32) -> (i32, i32) {
    %c0_i32 = arith.constant 0 : i32
    %c0_i32_0 = arith.constant 0 : i32
    return %arg0, %c0_i32 : i32, i32
  }
  func.func @transform_3(%arg0: i32) -> (i32, i32) {
    %c0_i32 = arith.constant 0 : i32
    %c0_i32_0 = arith.constant 0 : i32
    %c0_i32_1 = arith.constant 0 : i32
    return %c0_i32, %c0_i32_0 : i32, i32
  }
  func.func @transform_4(%arg0: i32) -> (i32, i32) {
    %c0_i32 = arith.constant 0 : i32
    %c0_i32_0 = arith.constant 0 : i32
    %c0_i32_1 = arith.constant 0 : i32
    return %c0_i32, %c0_i32_0 : i32, i32
  }
  func.func @transform_5(%arg0: i32) -> (i32, i32) {
    %c0_i32 = arith.constant 0 : i32
    %c0_i32_0 = arith.constant 0 : i32
    %c0_i32_1 = arith.constant 0 : i32
    return %c0_i32, %c0_i32_0 : i32, i32
  }
  func.func @transform_6(%arg0: i32) -> (i32, i32) {
    %c0_i32 = arith.constant 0 : i32
    %c0_i32_0 = arith.constant 0 : i32
    %c0_i32_1 = arith.constant 0 : i32
    return %c0_i32, %c0_i32_0 : i32, i32
  }
  func.func @transform_7(%arg0: i32) -> (i32, i32) {
    %c0_i32 = arith.constant 0 : i32
    %c0_i32_0 = arith.constant 0 : i32
    %c0_i32_1 = arith.constant 0 : i32
    return %c0_i32, %c0_i32_0 : i32, i32
  }
  func.func @transform_8(%arg0: i32) -> (i32, i32) {
    %c0_i32 = arith.constant 0 : i32
    %c0_i32_0 = arith.constant 0 : i32
    %c0_i32_1 = arith.constant 0 : i32
    return %c0_i32, %c0_i32_0 : i32, i32
  }
  func.func @transform_9(%arg0: i32) -> (i32, i32) {
    %c0_i32 = arith.constant 0 : i32
    %c0_i32_0 = arith.constant 0 : i32
    %c0_i32_1 = arith.constant 0 : i32
    return %c0_i32, %c0_i32_0 : i32, i32
  }
  func.func @transform_10(%arg0: i32) -> (i32, i32) {
    %c0_i32 = arith.constant 0 : i32
    %c0_i32_0 = arith.constant 0 : i32
    %c0_i32_1 = arith.constant 0 : i32
    return %c0_i32, %c0_i32_0 : i32, i32
  }
  func.func @transform_11(%arg0: i32) -> (i32, i32) {
    %c0_i32 = arith.constant 0 : i32
    %c0_i32_0 = arith.constant 0 : i32
    %c0_i32_1 = arith.constant 0 : i32
    return %c0_i32, %c0_i32_0 : i32, i32
  }
  func.func @transform_12(%arg0: i32) -> (i32, i32) {
    %c0_i32 = arith.constant 0 : i32
    %c0_i32_0 = arith.constant 0 : i32
    %c0_i32_1 = arith.constant 0 : i32
    return %c0_i32, %c0_i32_0 : i32, i32
  }
  func.func @transform_13(%arg0: i32) -> (i32, i32) {
    %c0_i32 = arith.constant 0 : i32
    %c0_i32_0 = arith.constant 0 : i32
    return %arg0, %c0_i32 : i32, i32
  }
  func.func @transform_14(%arg0: i32) -> (i32, i32) {
    %c0_i32 = arith.constant 0 : i32
    %c0_i32_0 = arith.constant 0 : i32
    %c0_i32_1 = arith.constant 0 : i32
    return %c0_i32, %c0_i32_0 : i32, i32
  }
}

module attributes {stable_mosaic.version = 14 : i64} {
  func.func @_atom_body(%arg0: i32, %arg1: memref<1000x32xf32, #tpu.memory_space<vmem>>, %arg2: memref<1000x1xf32, #tpu.memory_space<vmem>>, %arg3: memref<1000x32xf32, #tpu.memory_space<vmem>>, %arg4: memref<1x32xf32, #tpu.memory_space<vmem>>, %arg5: memref<96x64xf32, #tpu.memory_space<vmem>>, %arg6: memref<1x64xf32, #tpu.memory_space<vmem>>, %arg7: memref<64x64xf32, #tpu.memory_space<vmem>>, %arg8: memref<1x64xf32, #tpu.memory_space<vmem>>, %arg9: memref<64x32xf32, #tpu.memory_space<vmem>>, %arg10: memref<1x32xf32, #tpu.memory_space<vmem>>, %arg11: memref<1000x32xf32, #tpu.memory_space<vmem>>, %arg12: memref<8x32xf32, #tpu.memory_space<vmem>>) attributes {dimension_semantics = [#tpu.dimension_semantics<arbitrary>], iteration_bounds = array<i64: 100>, scalar_prefetch = 0 : i64, scratch_operands = 0 : i64, tpu.core_type = #tpu.core_type<tc>, window_params = [{transform_indices = @transform_0, window_bounds = array<i64: 1000, 32>}, {transform_indices = @transform_1, window_bounds = array<i64: 1000, 1>}, {transform_indices = @transform_2, window_bounds = array<i64: 1000, 32>}, {pipeline_mode = #tpu.pipeline_mode<synchronous>, transform_indices = @transform_3, window_bounds = array<i64: 1, 32>}, {pipeline_mode = #tpu.pipeline_mode<synchronous>, transform_indices = @transform_4, window_bounds = array<i64: 96, 64>}, {pipeline_mode = #tpu.pipeline_mode<synchronous>, transform_indices = @transform_5, window_bounds = array<i64: 1, 64>}, {pipeline_mode = #tpu.pipeline_mode<synchronous>, transform_indices = @transform_6, window_bounds = array<i64: 64, 64>}, {pipeline_mode = #tpu.pipeline_mode<synchronous>, transform_indices = @transform_7, window_bounds = array<i64: 1, 64>}, {pipeline_mode = #tpu.pipeline_mode<synchronous>, transform_indices = @transform_8, window_bounds = array<i64: 64, 32>}, {pipeline_mode = #tpu.pipeline_mode<synchronous>, transform_indices = @transform_9, window_bounds = array<i64: 1, 32>}, {transform_indices = @transform_10, window_bounds = array<i64: 1000, 32>}, {pipeline_mode = #tpu.pipeline_mode<synchronous>, transform_indices = @transform_11, window_bounds = array<i64: 8, 32>}]} {
    %get3A = arith.constant 0 : index
    %get3A_0 = arith.constant 0 : index
    %get3A_1 = vector.load %arg1[%get3A, %get3A_0] : memref<1000x32xf32, #tpu.memory_space<vmem>>, vector<1000x32xf32>
    %get3A_2 = arith.constant 0 : index
    %get3A_3 = arith.constant 0 : index
    %get3A_4 = vector.load %arg2[%get3A_2, %get3A_3] : memref<1000x1xf32, #tpu.memory_space<vmem>>, vector<1000x1xf32>
    %div3A = vector.broadcast %get3A_4 : vector<1000x1xf32> to vector<1000x32xf32>
    %div3A_5 = arith.divf %get3A_1, %div3A : vector<1000x32xf32>
    %get3A_6 = arith.constant 0 : index
    %get3A_7 = arith.constant 0 : index
    %get3A_8 = vector.load %arg3[%get3A_6, %get3A_7] : memref<1000x32xf32, #tpu.memory_space<vmem>>, vector<1000x32xf32>
    %concatenate3A = tpu.concatenate %div3A_5, %get3A_8 in 1 : vector<1000x32xf32>, vector<1000x32xf32> -> vector<1000x64xf32>
    %get3A_9 = arith.constant 0 : index
    %get3A_10 = arith.constant 0 : index
    %get3A_11 = vector.load %arg4[%get3A_9, %get3A_10] : memref<1x32xf32, #tpu.memory_space<vmem>>, vector<1x32xf32>
    %get3A_12 = arith.constant 64 : index
    %get3A_13 = arith.constant 0 : index
    %get3A_14 = vector.load %arg5[%get3A_12, %get3A_13] : memref<96x64xf32, #tpu.memory_space<vmem>>, vector<32x64xf32>
    %dot_general3A = arith.constant dense<0.000000e+00> : vector<1x64xf32>
    %dot_general3A_15 = tpu.matmul %get3A_11, %get3A_14, %dot_general3A {dimension_numbers = #tpu.dot_dimension_numbers<[1], [0], [0], [1], [0, 0, 1, 1], [], []>, transpose_lhs_hint = false} : vector<1x32xf32>, vector<32x64xf32>, vector<1x64xf32> -> vector<1x64xf32>
    %get3A_16 = arith.constant 0 : index
    %get3A_17 = arith.constant 0 : index
    %get3A_18 = vector.load %arg6[%get3A_16, %get3A_17] : memref<1x64xf32, #tpu.memory_space<vmem>>, vector<1x64xf32>
    %add3A = arith.addf %dot_general3A_15, %get3A_18 : vector<1x64xf32>
    %get3A_19 = arith.constant 0 : index
    %get3A_20 = arith.constant 0 : index
    %get3A_21 = vector.load %arg5[%get3A_19, %get3A_20] : memref<96x64xf32, #tpu.memory_space<vmem>>, vector<64x64xf32>
    %dot_general3A_22 = arith.constant dense<0.000000e+00> : vector<1000x64xf32>
    %dot_general3A_23 = tpu.matmul %concatenate3A, %get3A_21, %dot_general3A_22 {dimension_numbers = #tpu.dot_dimension_numbers<[1], [0], [0], [1], [0, 0, 1, 1], [], []>, transpose_lhs_hint = false} : vector<1000x64xf32>, vector<64x64xf32>, vector<1000x64xf32> -> vector<1000x64xf32>
    %add3A_24 = vector.broadcast %add3A : vector<1x64xf32> to vector<1000x64xf32>
    %add3A_25 = arith.addf %dot_general3A_23, %add3A_24 : vector<1000x64xf32>
    %max3A = arith.constant 0.000000e+00 : f32
    %max3A_26 = vector.broadcast %max3A : f32 to vector<1000x64xf32>
    %max3A_27 = arith.maximumf %add3A_25, %max3A_26 : vector<1000x64xf32>
    %abs3A = math.absf %add3A_25 : vector<1000x64xf32>
    %neg3A = arith.constant 0.000000e+00 : f32
    %neg3A_28 = vector.broadcast %neg3A : f32 to vector<1000x64xf32>
    %neg3A_29 = arith.subf %neg3A_28, %abs3A : vector<1000x64xf32>
    %exp3A = math.exp %neg3A_29 : vector<1000x64xf32>
    %add3A_30 = arith.constant 1.000000e+00 : f32
    %add3A_31 = vector.broadcast %add3A_30 : f32 to vector<1000x64xf32>
    %add3A_32 = arith.addf %add3A_31, %exp3A : vector<1000x64xf32>
    %log3A = math.log %add3A_32 : vector<1000x64xf32>
    %add3A_33 = arith.addf %max3A_27, %log3A : vector<1000x64xf32>
    %get3A_34 = arith.constant 0 : index
    %get3A_35 = arith.constant 0 : index
    %get3A_36 = vector.load %arg7[%get3A_34, %get3A_35] : memref<64x64xf32, #tpu.memory_space<vmem>>, vector<64x64xf32>
    %dot_general3A_37 = arith.constant dense<0.000000e+00> : vector<1000x64xf32>
    %dot_general3A_38 = tpu.matmul %add3A_33, %get3A_36, %dot_general3A_37 {dimension_numbers = #tpu.dot_dimension_numbers<[1], [0], [0], [1], [0, 0, 1, 1], [], []>, transpose_lhs_hint = false} : vector<1000x64xf32>, vector<64x64xf32>, vector<1000x64xf32> -> vector<1000x64xf32>
    %get3A_39 = arith.constant 0 : index
    %get3A_40 = arith.constant 0 : index
    %get3A_41 = vector.load %arg8[%get3A_39, %get3A_40] : memref<1x64xf32, #tpu.memory_space<vmem>>, vector<1x64xf32>
    %add3A_42 = vector.broadcast %get3A_41 : vector<1x64xf32> to vector<1000x64xf32>
    %add3A_43 = arith.addf %dot_general3A_38, %add3A_42 : vector<1000x64xf32>
    %max3A_44 = arith.constant 0.000000e+00 : f32
    %max3A_45 = vector.broadcast %max3A_44 : f32 to vector<1000x64xf32>
    %max3A_46 = arith.maximumf %add3A_43, %max3A_45 : vector<1000x64xf32>
    %abs3A_47 = math.absf %add3A_43 : vector<1000x64xf32>
    %neg3A_48 = arith.constant 0.000000e+00 : f32
    %neg3A_49 = vector.broadcast %neg3A_48 : f32 to vector<1000x64xf32>
    %neg3A_50 = arith.subf %neg3A_49, %abs3A_47 : vector<1000x64xf32>
    %exp3A_51 = math.exp %neg3A_50 : vector<1000x64xf32>
    %add3A_52 = arith.constant 1.000000e+00 : f32
    %add3A_53 = vector.broadcast %add3A_52 : f32 to vector<1000x64xf32>
    %add3A_54 = arith.addf %add3A_53, %exp3A_51 : vector<1000x64xf32>
    %log3A_55 = math.log %add3A_54 : vector<1000x64xf32>
    %add3A_56 = arith.addf %max3A_46, %log3A_55 : vector<1000x64xf32>
    %get3A_57 = arith.constant 0 : index
    %get3A_58 = arith.constant 0 : index
    %get3A_59 = vector.load %arg9[%get3A_57, %get3A_58] : memref<64x32xf32, #tpu.memory_space<vmem>>, vector<64x32xf32>
    %dot_general3A_60 = arith.constant dense<0.000000e+00> : vector<1000x32xf32>
    %dot_general3A_61 = tpu.matmul %add3A_56, %get3A_59, %dot_general3A_60 {dimension_numbers = #tpu.dot_dimension_numbers<[1], [0], [0], [1], [0, 0, 1, 1], [], []>, transpose_lhs_hint = false} : vector<1000x64xf32>, vector<64x32xf32>, vector<1000x32xf32> -> vector<1000x32xf32>
    %get3A_62 = arith.constant 0 : index
    %get3A_63 = arith.constant 0 : index
    %get3A_64 = vector.load %arg10[%get3A_62, %get3A_63] : memref<1x32xf32, #tpu.memory_space<vmem>>, vector<1x32xf32>
    %add3A_65 = vector.broadcast %get3A_64 : vector<1x32xf32> to vector<1000x32xf32>
    %add3A_66 = arith.addf %dot_general3A_61, %add3A_65 : vector<1000x32xf32>
    %max3A_67 = arith.constant 0.000000e+00 : f32
    %max3A_68 = vector.broadcast %max3A_67 : f32 to vector<1000x32xf32>
    %max3A_69 = arith.maximumf %add3A_66, %max3A_68 : vector<1000x32xf32>
    %abs3A_70 = math.absf %add3A_66 : vector<1000x32xf32>
    %neg3A_71 = arith.constant 0.000000e+00 : f32
    %neg3A_72 = vector.broadcast %neg3A_71 : f32 to vector<1000x32xf32>
    %neg3A_73 = arith.subf %neg3A_72, %abs3A_70 : vector<1000x32xf32>
    %exp3A_74 = math.exp %neg3A_73 : vector<1000x32xf32>
    %add3A_75 = arith.constant 1.000000e+00 : f32
    %add3A_76 = vector.broadcast %add3A_75 : f32 to vector<1000x32xf32>
    %add3A_77 = arith.addf %add3A_76, %exp3A_74 : vector<1000x32xf32>
    %log3A_78 = math.log %add3A_77 : vector<1000x32xf32>
    %add3A_79 = arith.addf %max3A_69, %log3A_78 : vector<1000x32xf32>
    %swap3A = arith.constant 0 : index
    %swap3A_80 = arith.constant 0 : index
    %swap3A_81 = vector.load %arg11[%swap3A, %swap3A_80] : memref<1000x32xf32, #tpu.memory_space<vmem>>, vector<1000x32xf32>
    tpu.vector_store %arg11[%swap3A, %swap3A_80], %add3A_79 {strides = array<i32>} : memref<1000x32xf32, #tpu.memory_space<vmem>>, vector<1000x32xf32>,
    %eq3A = arith.constant 0 : i32
    %eq3A_82 = arith.cmpi eq, %arg0, %eq3A : i32
    %convert_element_type3A = arith.extui %eq3A_82 : i1 to i32
    %cond3A = arith.constant 0 : i32
    %cond3A_83 = arith.cmpi ne, %convert_element_type3A, %cond3A : i32
    scf.if %cond3A_83 {
      %broadcast_in_dim3A = arith.constant 0.000000e+00 : f32
      %broadcast_in_dim3A_92 = vector.broadcast %broadcast_in_dim3A : f32 to vector<8x32xf32>
      %swap3A_93 = arith.constant 0 : index
      %swap3A_94 = arith.constant 0 : index
      %swap3A_95 = vector.load %arg12[%swap3A_93, %swap3A_94] : memref<8x32xf32, #tpu.memory_space<vmem>>, vector<8x32xf32>
      tpu.vector_store %arg12[%swap3A_93, %swap3A_94], %broadcast_in_dim3A_92 {strides = array<i32>} : memref<8x32xf32, #tpu.memory_space<vmem>>, vector<8x32xf32>,
    } else {
    }
    %get3A_84 = arith.constant 0 : index
    %get3A_85 = arith.constant 0 : index
    %get3A_86 = vector.load %arg12[%get3A_84, %get3A_85] : memref<8x32xf32, #tpu.memory_space<vmem>>, vector<8x32xf32>
    %reshape3A = vector.shape_cast %add3A_79 : vector<1000x32xf32> to vector<8x125x32xf32>
    %reduce_sum3A = arith.constant dense<0.000000e+00> : vector<8x32xf32>
    %reduce_sum3A_87 = vector.multi_reduction <add>, %reshape3A, %reduce_sum3A [1] : vector<8x125x32xf32> to vector<8x32xf32>
    %add3A_88 = arith.addf %get3A_86, %reduce_sum3A_87 : vector<8x32xf32>
    %swap3A_89 = arith.constant 0 : index
    %swap3A_90 = arith.constant 0 : index
    %swap3A_91 = vector.load %arg12[%swap3A_89, %swap3A_90] : memref<8x32xf32, #tpu.memory_space<vmem>>, vector<8x32xf32>
    tpu.vector_store %arg12[%swap3A_89, %swap3A_90], %add3A_88 {strides = array<i32>} : memref<8x32xf32, #tpu.memory_space<vmem>>, vector<8x32xf32>,
    return
  }
  func.func @transform_0(%arg0: i32) -> (i32, i32) {
    %c0_i32 = arith.constant 0 : i32
    %c0_i32_0 = arith.constant 0 : i32
    return %arg0, %c0_i32 : i32, i32
  }
  func.func @transform_1(%arg0: i32) -> (i32, i32) {
    %c0_i32 = arith.constant 0 : i32
    %c0_i32_0 = arith.constant 0 : i32
    return %arg0, %c0_i32 : i32, i32
  }
  func.func @transform_2(%arg0: i32) -> (i32, i32) {
    %c0_i32 = arith.constant 0 : i32
    %c0_i32_0 = arith.constant 0 : i32
    return %arg0, %c0_i32 : i32, i32
  }
  func.func @transform_3(%arg0: i32) -> (i32, i32) {
    %c0_i32 = arith.constant 0 : i32
    %c0_i32_0 = arith.constant 0 : i32
    %c0_i32_1 = arith.constant 0 : i32
    return %c0_i32, %c0_i32_0 : i32, i32
  }
  func.func @transform_4(%arg0: i32) -> (i32, i32) {
    %c0_i32 = arith.constant 0 : i32
    %c0_i32_0 = arith.constant 0 : i32
    %c0_i32_1 = arith.constant 0 : i32
    return %c0_i32, %c0_i32_0 : i32, i32
  }
  func.func @transform_5(%arg0: i32) -> (i32, i32) {
    %c0_i32 = arith.constant 0 : i32
    %c0_i32_0 = arith.constant 0 : i32
    %c0_i32_1 = arith.constant 0 : i32
    return %c0_i32, %c0_i32_0 : i32, i32
  }
  func.func @transform_6(%arg0: i32) -> (i32, i32) {
    %c0_i32 = arith.constant 0 : i32
    %c0_i32_0 = arith.constant 0 : i32
    %c0_i32_1 = arith.constant 0 : i32
    return %c0_i32, %c0_i32_0 : i32, i32
  }
  func.func @transform_7(%arg0: i32) -> (i32, i32) {
    %c0_i32 = arith.constant 0 : i32
    %c0_i32_0 = arith.constant 0 : i32
    %c0_i32_1 = arith.constant 0 : i32
    return %c0_i32, %c0_i32_0 : i32, i32
  }
  func.func @transform_8(%arg0: i32) -> (i32, i32) {
    %c0_i32 = arith.constant 0 : i32
    %c0_i32_0 = arith.constant 0 : i32
    %c0_i32_1 = arith.constant 0 : i32
    return %c0_i32, %c0_i32_0 : i32, i32
  }
  func.func @transform_9(%arg0: i32) -> (i32, i32) {
    %c0_i32 = arith.constant 0 : i32
    %c0_i32_0 = arith.constant 0 : i32
    %c0_i32_1 = arith.constant 0 : i32
    return %c0_i32, %c0_i32_0 : i32, i32
  }
  func.func @transform_10(%arg0: i32) -> (i32, i32) {
    %c0_i32 = arith.constant 0 : i32
    %c0_i32_0 = arith.constant 0 : i32
    return %arg0, %c0_i32 : i32, i32
  }
  func.func @transform_11(%arg0: i32) -> (i32, i32) {
    %c0_i32 = arith.constant 0 : i32
    %c0_i32_0 = arith.constant 0 : i32
    %c0_i32_1 = arith.constant 0 : i32
    return %c0_i32, %c0_i32_0 : i32, i32
  }
}

module attributes {stable_mosaic.version = 14 : i64} {
  func.func @_state_body(%arg0: memref<8x128xf32, #tpu.memory_space<vmem>>, %arg1: memref<8x32xf32, #tpu.memory_space<vmem>>, %arg2: memref<1x32xf32, #tpu.memory_space<vmem>>, %arg3: memref<96x64xf32, #tpu.memory_space<vmem>>, %arg4: memref<1x64xf32, #tpu.memory_space<vmem>>, %arg5: memref<64x64xf32, #tpu.memory_space<vmem>>, %arg6: memref<1x64xf32, #tpu.memory_space<vmem>>, %arg7: memref<64x32xf32, #tpu.memory_space<vmem>>, %arg8: memref<1x32xf32, #tpu.memory_space<vmem>>, %arg9: memref<1x32xf32, #tpu.memory_space<vmem>>) attributes {dimension_semantics = [], scalar_prefetch = 0 : i64, scratch_operands = 0 : i64, tpu.core_type = #tpu.core_type<tc>} {
    %get3A = arith.constant 0 : index
    %get3A_0 = arith.constant 0 : index
    %get3A_1 = vector.load %arg0[%get3A, %get3A_0] : memref<8x128xf32, #tpu.memory_space<vmem>>, vector<8x128xf32>
    %slice3A = vector.extract_strided_slice %get3A_1 {offsets = [0, 0], sizes = [8, 32], strides = [1, 1]} : vector<8x128xf32> to vector<8x32xf32>
    %slice3A_2 = vector.extract_strided_slice %get3A_1 {offsets = [0, 32], sizes = [8, 32], strides = [1, 1]} : vector<8x128xf32> to vector<8x32xf32>
    %add3A = arith.addf %slice3A, %slice3A_2 : vector<8x32xf32>
    %slice3A_3 = vector.extract_strided_slice %get3A_1 {offsets = [0, 64], sizes = [8, 32], strides = [1, 1]} : vector<8x128xf32> to vector<8x32xf32>
    %add3A_4 = arith.addf %add3A, %slice3A_3 : vector<8x32xf32>
    %slice3A_5 = vector.extract_strided_slice %get3A_1 {offsets = [0, 96], sizes = [8, 32], strides = [1, 1]} : vector<8x128xf32> to vector<8x32xf32>
    %add3A_6 = arith.addf %add3A_4, %slice3A_5 : vector<8x32xf32>
    %reduce_sum3A = arith.constant dense<0.000000e+00> : vector<32xf32>
    %reduce_sum3A_7 = vector.multi_reduction <add>, %add3A_6, %reduce_sum3A [0] : vector<8x32xf32> to vector<32xf32>
    %broadcast_in_dim3A = vector.shape_cast %reduce_sum3A_7 : vector<32xf32> to vector<1x32xf32>
    %div3A = arith.constant 1.600000e+06 : f32
    %div3A_8 = vector.broadcast %div3A : f32 to vector<1x32xf32>
    %div3A_9 = arith.divf %broadcast_in_dim3A, %div3A_8 : vector<1x32xf32>
    %get3A_10 = arith.constant 0 : index
    %get3A_11 = arith.constant 0 : index
    %get3A_12 = vector.load %arg1[%get3A_10, %get3A_11] : memref<8x32xf32, #tpu.memory_space<vmem>>, vector<8x32xf32>
    %reduce_sum3A_13 = arith.constant dense<0.000000e+00> : vector<32xf32>
    %reduce_sum3A_14 = vector.multi_reduction <add>, %get3A_12, %reduce_sum3A_13 [0] : vector<8x32xf32> to vector<32xf32>
    %broadcast_in_dim3A_15 = vector.shape_cast %reduce_sum3A_14 : vector<32xf32> to vector<1x32xf32>
    %div3A_16 = arith.constant 1.000000e+05 : f32
    %div3A_17 = vector.broadcast %div3A_16 : f32 to vector<1x32xf32>
    %div3A_18 = arith.divf %broadcast_in_dim3A_15, %div3A_17 : vector<1x32xf32>
    %get3A_19 = arith.constant 0 : index
    %get3A_20 = arith.constant 0 : index
    %get3A_21 = vector.load %arg2[%get3A_19, %get3A_20] : memref<1x32xf32, #tpu.memory_space<vmem>>, vector<1x32xf32>
    %get3A_22 = arith.constant 64 : index
    %get3A_23 = arith.constant 0 : index
    %get3A_24 = vector.load %arg3[%get3A_22, %get3A_23] : memref<96x64xf32, #tpu.memory_space<vmem>>, vector<32x64xf32>
    %dot_general3A = arith.constant dense<0.000000e+00> : vector<1x64xf32>
    %dot_general3A_25 = tpu.matmul %get3A_21, %get3A_24, %dot_general3A {dimension_numbers = #tpu.dot_dimension_numbers<[1], [0], [0], [1], [0, 0, 1, 1], [], []>, transpose_lhs_hint = false} : vector<1x32xf32>, vector<32x64xf32>, vector<1x64xf32> -> vector<1x64xf32>
    %get3A_26 = arith.constant 0 : index
    %get3A_27 = arith.constant 0 : index
    %get3A_28 = vector.load %arg4[%get3A_26, %get3A_27] : memref<1x64xf32, #tpu.memory_space<vmem>>, vector<1x64xf32>
    %add3A_29 = arith.addf %dot_general3A_25, %get3A_28 : vector<1x64xf32>
    %get3A_30 = arith.constant 0 : index
    %get3A_31 = arith.constant 0 : index
    %get3A_32 = vector.load %arg3[%get3A_30, %get3A_31] : memref<96x64xf32, #tpu.memory_space<vmem>>, vector<32x64xf32>
    %dot_general3A_33 = arith.constant dense<0.000000e+00> : vector<1x64xf32>
    %dot_general3A_34 = tpu.matmul %div3A_9, %get3A_32, %dot_general3A_33 {dimension_numbers = #tpu.dot_dimension_numbers<[1], [0], [0], [1], [0, 0, 1, 1], [], []>, transpose_lhs_hint = false} : vector<1x32xf32>, vector<32x64xf32>, vector<1x64xf32> -> vector<1x64xf32>
    %get3A_35 = arith.constant 32 : index
    %get3A_36 = arith.constant 0 : index
    %get3A_37 = vector.load %arg3[%get3A_35, %get3A_36] : memref<96x64xf32, #tpu.memory_space<vmem>>, vector<32x64xf32>
    %dot_general3A_38 = arith.constant dense<0.000000e+00> : vector<1x64xf32>
    %dot_general3A_39 = tpu.matmul %div3A_18, %get3A_37, %dot_general3A_38 {dimension_numbers = #tpu.dot_dimension_numbers<[1], [0], [0], [1], [0, 0, 1, 1], [], []>, transpose_lhs_hint = false} : vector<1x32xf32>, vector<32x64xf32>, vector<1x64xf32> -> vector<1x64xf32>
    %add3A_40 = arith.addf %dot_general3A_34, %dot_general3A_39 : vector<1x64xf32>
    %add3A_41 = arith.addf %add3A_40, %add3A_29 : vector<1x64xf32>
    %max3A = arith.constant 0.000000e+00 : f32
    %max3A_42 = vector.broadcast %max3A : f32 to vector<1x64xf32>
    %max3A_43 = arith.maximumf %add3A_41, %max3A_42 : vector<1x64xf32>
    %abs3A = math.absf %add3A_41 : vector<1x64xf32>
    %neg3A = arith.constant 0.000000e+00 : f32
    %neg3A_44 = vector.broadcast %neg3A : f32 to vector<1x64xf32>
    %neg3A_45 = arith.subf %neg3A_44, %abs3A : vector<1x64xf32>
    %exp3A = math.exp %neg3A_45 : vector<1x64xf32>
    %add3A_46 = arith.constant 1.000000e+00 : f32
    %add3A_47 = vector.broadcast %add3A_46 : f32 to vector<1x64xf32>
    %add3A_48 = arith.addf %add3A_47, %exp3A : vector<1x64xf32>
    %log3A = math.log %add3A_48 : vector<1x64xf32>
    %add3A_49 = arith.addf %max3A_43, %log3A : vector<1x64xf32>
    %get3A_50 = arith.constant 0 : index
    %get3A_51 = arith.constant 0 : index
    %get3A_52 = vector.load %arg5[%get3A_50, %get3A_51] : memref<64x64xf32, #tpu.memory_space<vmem>>, vector<64x64xf32>
    %dot_general3A_53 = arith.constant dense<0.000000e+00> : vector<1x64xf32>
    %dot_general3A_54 = tpu.matmul %add3A_49, %get3A_52, %dot_general3A_53 {dimension_numbers = #tpu.dot_dimension_numbers<[1], [0], [0], [1], [0, 0, 1, 1], [], []>, transpose_lhs_hint = false} : vector<1x64xf32>, vector<64x64xf32>, vector<1x64xf32> -> vector<1x64xf32>
    %get3A_55 = arith.constant 0 : index
    %get3A_56 = arith.constant 0 : index
    %get3A_57 = vector.load %arg6[%get3A_55, %get3A_56] : memref<1x64xf32, #tpu.memory_space<vmem>>, vector<1x64xf32>
    %add3A_58 = arith.addf %dot_general3A_54, %get3A_57 : vector<1x64xf32>
    %max3A_59 = arith.constant 0.000000e+00 : f32
    %max3A_60 = vector.broadcast %max3A_59 : f32 to vector<1x64xf32>
    %max3A_61 = arith.maximumf %add3A_58, %max3A_60 : vector<1x64xf32>
    %abs3A_62 = math.absf %add3A_58 : vector<1x64xf32>
    %neg3A_63 = arith.constant 0.000000e+00 : f32
    %neg3A_64 = vector.broadcast %neg3A_63 : f32 to vector<1x64xf32>
    %neg3A_65 = arith.subf %neg3A_64, %abs3A_62 : vector<1x64xf32>
    %exp3A_66 = math.exp %neg3A_65 : vector<1x64xf32>
    %add3A_67 = arith.constant 1.000000e+00 : f32
    %add3A_68 = vector.broadcast %add3A_67 : f32 to vector<1x64xf32>
    %add3A_69 = arith.addf %add3A_68, %exp3A_66 : vector<1x64xf32>
    %log3A_70 = math.log %add3A_69 : vector<1x64xf32>
    %add3A_71 = arith.addf %max3A_61, %log3A_70 : vector<1x64xf32>
    %get3A_72 = arith.constant 0 : index
    %get3A_73 = arith.constant 0 : index
    %get3A_74 = vector.load %arg7[%get3A_72, %get3A_73] : memref<64x32xf32, #tpu.memory_space<vmem>>, vector<64x32xf32>
    %dot_general3A_75 = arith.constant dense<0.000000e+00> : vector<1x32xf32>
    %dot_general3A_76 = tpu.matmul %add3A_71, %get3A_74, %dot_general3A_75 {dimension_numbers = #tpu.dot_dimension_numbers<[1], [0], [0], [1], [0, 0, 1, 1], [], []>, transpose_lhs_hint = false} : vector<1x64xf32>, vector<64x32xf32>, vector<1x32xf32> -> vector<1x32xf32>
    %get3A_77 = arith.constant 0 : index
    %get3A_78 = arith.constant 0 : index
    %get3A_79 = vector.load %arg8[%get3A_77, %get3A_78] : memref<1x32xf32, #tpu.memory_space<vmem>>, vector<1x32xf32>
    %add3A_80 = arith.addf %dot_general3A_76, %get3A_79 : vector<1x32xf32>
    %max3A_81 = arith.constant 0.000000e+00 : f32
    %max3A_82 = vector.broadcast %max3A_81 : f32 to vector<1x32xf32>
    %max3A_83 = arith.maximumf %add3A_80, %max3A_82 : vector<1x32xf32>
    %abs3A_84 = math.absf %add3A_80 : vector<1x32xf32>
    %neg3A_85 = arith.constant 0.000000e+00 : f32
    %neg3A_86 = vector.broadcast %neg3A_85 : f32 to vector<1x32xf32>
    %neg3A_87 = arith.subf %neg3A_86, %abs3A_84 : vector<1x32xf32>
    %exp3A_88 = math.exp %neg3A_87 : vector<1x32xf32>
    %add3A_89 = arith.constant 1.000000e+00 : f32
    %add3A_90 = vector.broadcast %add3A_89 : f32 to vector<1x32xf32>
    %add3A_91 = arith.addf %add3A_90, %exp3A_88 : vector<1x32xf32>
    %log3A_92 = math.log %add3A_91 : vector<1x32xf32>
    %add3A_93 = arith.addf %max3A_83, %log3A_92 : vector<1x32xf32>
    %swap3A = arith.constant 0 : index
    %swap3A_94 = arith.constant 0 : index
    %swap3A_95 = vector.load %arg9[%swap3A, %swap3A_94] : memref<1x32xf32, #tpu.memory_space<vmem>>, vector<1x32xf32>
    tpu.vector_store %arg9[%swap3A, %swap3A_94], %add3A_93 {strides = array<i32>} : memref<1x32xf32, #tpu.memory_space<vmem>>, vector<1x32xf32>,
    return
  }
}

</mosaic_0001>

<sc_bundles>
// kernel: kernel.10.cloned.1.call-start
scs
__scs_entry_jumppad:
0x0: {  	(pc) =	sbr.rel $0x88, $3  }
0x1: {  	(tag) =	ssettag $0x0;
	lr =	simm.s32 $0x1  }
0x2: {  	[smem:$0x3F8A] =	sst lr;
	_ =	strace $0xD0000000  }
0x3: {  	_ = 	snop  }
0x4: {  	_ = 	snop  }
0x5: {  	_ = 	snop  }
0x6: {  	_ = 	snop  }
0x7: {  	_ = 	snop  }
__scs_overlays_trampoline_lowered:
0x8: {  	[smem:$0x3F99] =	sst s0  }
0x9: {  	[smem:$0x3F9A] =	sst s1  }
0xa: {  	[smem:$0x3F9B] =	sst s2  }
0xb: {  	[smem:$0x3F9C] =	sst s3  }
0xc: {  	[smem:$0x3F9D] =	sst s4  }
0xd: {  	[smem:$0x3F9E] =	sst s5  }
0xe: {  	[smem:$0x3F9F] =	sst s6  }
0xf: {  	[smem:$0x3FA0] =	sst s7  }
0x10: {  	[smem:$0x3FA1] =	sst s8  }
0x11: {  	[smem:$0x3FA2] =	sst s9;
	s0 =	simm.s32 @!p0 $0x0  }
0x12: {  	s1 =	sld [smem:$0x3F88];
	s0 =	simm.s32 @p0 $0x1  }
0x13: {  	[smem:$0x3FA3] =	sst s0;
	s0 =	simm.s32 @!p1 $0x0  }
0x14: {  	s2 =	sld [smem:$0x3F87];
	s0 =	simm.s32 @p1 $0x1  }
0x15: {  	[smem:$0x3FA4] =	sst s0;
	s0 =	simm.s32 @!p2 $0x0  }
0x16: {  	s3 =	sld [smem:$0x3FDB];
	s0 =	simm.s32 @p2 $0x1  }
0x17: {  	s4 =	simm.s32 $0x1BF5;
	[smem:$0x3FA6] =	sst s0  }
0x18: {  	s0 =	sld [smem:$0x3F89];
	_ =	swait.ge [sflag:s4], $0x0  }
0x19: {  	s7 =	sld [smem:$0x3F8A]  }
0x1a: {  	s8 =	sadd.s32 $0xFFFFE003, lr  }
0x1b: {  	s9 =	sadd.s32 $0xFFFFFEF7, lr;
	s5 =	simm.s32 $0xFFFFFFFF;
	p2 =	slt.u32 s8, $0xFFFFF086  }
0x1c: {  	p1 =	slt.u32 s9, $0xF7A;
	s5 =	simm.s32 @!p2 $0x0  }
0x1d: {  	s5 =	simm.s32 @p1 $0x1;
	p0 =	seq.s32 s7, s2  }
0x1e: {  	s7 =	smul.u32 @!p0 $0xF7A, s2;
	p2 =	seq.s32 @!p0 s5, $0x0  }
0x1f: {  	s9 =	smul.u32 $0xF7A, s1;
	s8 =	simm.s32 @!p0 $0x1BF5;
	p2 =	por !p2, p0  }
0x20: {  	[sflag:s8] =	ssyncset.s32 @!p0 $0xFFFFF086;
	s6 =	sadd.s32 @!p0 s3, s7;
	s7 =	simm.s32 @!p0 $0x108  }
0x21: {  	s3 =	sadd.s32 s3, s9;
	s6 =	sadd.s32 @!p0 $0x88, s6;
	s7 =	simm.s32 @p2 $0x1082  }
0x22: {  	[simem:s7], [sflag:s8] =	dma.local @!p0 [hbm:s6], $0xF7A  }
0x23: {  	s9 =	sor.u32 $0xD0000000, s2;
	s6 =	simm.s32 $0x108;
	_ =	swait.ge @!p0 [sflag:s8], $0x0  }
0x24: {  	s3 =	sadd.s32 $0x88, s3;
	s6 =	simm.s32 @!p1 $0x1082;
	[sflag:s4] =	ssyncset.s32 $0xFFFFF086  }
0x25: {  	[simem:s6], [sflag:s4] =	dma.local [hbm:s3], $0xF7A  }
0x26: {  	[smem:$0x3F8A] =	sst s1;
	(tag) =	ssettag s2;
	_ =	strace s9  }
0x27: {  	s1 =	sld [smem:$0x3F9A]  }
0x28: {  	s2 =	sld [smem:$0x3F9B]  }
0x29: {  	s4 =	sld [smem:$0x3F9D]  }
0x2a: {  	p0 =	seq.s32 s5, $0x0;
	s5 =	sld [smem:$0x3F9E]  }
0x2b: {  	s6 =	sld [smem:$0x3F9F]  }
0x2c: {  	s7 =	sld [smem:$0x3FA0]  }
0x2d: {  	s3 =	simm.s32 $0x108;
	s8 =	sld [smem:$0x3FA1]  }
0x2e: {  	s3 =	simm.s32 @!p0 $0x1082;
	s9 =	sld [smem:$0x3FA2]  }
0x2f: {  	lr =	sadd.s32 s0, s3;
	s0 =	sld [smem:$0x3F99]  }
0x30: {  	s3 =	sld [smem:$0x3F9C]  }
0x31: {  	[smem:$0x3FA5] =	sst s10  }
0x32: {  	s10 =	sld [smem:$0x3FA3];
	_ =	sdelay $0x3  }
0x33: {  	p0 =	seq.s32 s10, $0x1;
	s10 =	sld [smem:$0x3FA5];
	_ =	sdelay $0x3  }
0x34: {  	[smem:$0x3FA5] =	sst s10  }
0x35: {  	s10 =	sld [smem:$0x3FA4];
	_ =	sdelay $0x3  }
0x36: {  	p1 =	seq.s32 s10, $0x1;
	s10 =	sld [smem:$0x3FA5];
	_ =	sdelay $0x3  }
0x37: {  	[smem:$0x3FA5] =	sst s10  }
0x38: {  	s10 =	sld [smem:$0x3FA6]  }
0x39: {  	_ = 	snop;
	(pc) =	sbr.ind lr, $3  }
0x3a: {  	_ = 	snop  }
0x3b: {  	_ = 	snop  }
0x3c: {  	p2 =	seq.s32 s10, $0x1;
	s10 =	sld [smem:$0x3FA5]  }
0x3d: {  	_ =	shalt  }
0x3e: {  	_ =	shalt  }
0x3f: {  	_ =	shalt  }
0x40: {  	_ =	shalt  }
0x41: {  	_ =	shalt  }
0x42: {  	_ =	shalt  }
0x43: {  	_ =	shalt  }
0x44: {  	_ =	shalt  }
0x45: {  	_ =	shalt  }
0x46: {  	_ =	shalt  }
0x47: {  	_ =	shalt  }
0x48: {  	_ =	shalt  }
0x49: {  	_ =	shalt  }
0x4a: {  	_ =	shalt  }
0x4b: {  	_ =	shalt  }
0x4c: {  	_ =	shalt  }
0x4d: {  	_ =	shalt  }
0x4e: {  	_ =	shalt  }
0x4f: {  	_ =	shalt  }
0x50: {  	_ =	shalt  }
0x51: {  	_ =	shalt  }
0x52: {  	_ =	shalt  }
0x53: {  	_ =	shalt  }
0x54: {  	_ =	shalt  }
0x55: {  	_ =	shalt  }
0x56: {  	_ =	shalt  }
0x57: {  	_ =	shalt  }
0x58: {  	_ =	shalt  }
0x59: {  	_ =	shalt  }
0x5a: {  	_ =	shalt  }
0x5b: {  	_ =	shalt  }
0x5c: {  	_ =	shalt  }
0x5d: {  	_ =	shalt  }
0x5e: {  	_ =	shalt  }
0x5f: {  	_ =	shalt  }
0x60: {  	_ =	shalt  }
0x61: {  	_ =	shalt  }
0x62: {  	_ =	shalt  }
0x63: {  	_ =	shalt  }
0x64: {  	_ =	shalt  }
0x65: {  	_ =	shalt  }
0x66: {  	_ =	shalt  }
0x67: {  	_ =	shalt  }
0x68: {  	_ =	shalt  }
0x69: {  	_ =	shalt  }
0x6a: {  	_ =	shalt  }
0x6b: {  	_ =	shalt  }
0x6c: {  	_ =	shalt  }
0x6d: {  	_ =	shalt  }
0x6e: {  	_ =	shalt  }
0x6f: {  	_ =	shalt  }
0x70: {  	_ =	shalt  }
0x71: {  	_ =	shalt  }
0x72: {  	_ =	shalt  }
0x73: {  	_ =	shalt  }
0x74: {  	_ =	shalt  }
0x75: {  	_ =	shalt  }
0x76: {  	_ =	shalt  }
0x77: {  	_ =	shalt  }
0x78: {  	_ =	shalt  }
0x79: {  	_ =	shalt  }
0x7a: {  	_ =	shalt  }
0x7b: {  	_ =	shalt  }
0x7c: {  	_ =	shalt  }
0x7d: {  	_ =	shalt  }
0x7e: {  	_ =	shalt  }
0x7f: {  	_ =	shalt  }
0x80: {  	_ =	shalt  }
0x81: {  	_ =	shalt  }
0x82: {  	_ =	shalt  }
0x83: {  	_ =	shalt  }
0x84: {  	_ =	shalt  }
0x85: {  	_ =	shalt  }
0x86: {  	_ =	shalt  }
0x87: {  	_ =	shalt  }
.Lfunc_end0:
.L_simem_size_0:
called_computation.2_lowered:
.L_overlay_start_0:
0x88: {  	s2 =	sld [smem:$0x3FD9]  }
0x89: {  	s3 =	sld [smem:$0x3FFE];
	_ =	sdelay $0x1  }
0x8a: {  	s1 =	srdreg.scid  }
0x8b: {  	s0 =	sand.u32 $0x1, s1  }
0x8c: {  	s14 =	sshll.u32 s0, $0xA;
	s2 =	sadd.s32 s3, s2  }
0x8d: {  	s2 =	sadd.s32 s2, s14  }
0x8e: {  	[smem:$0x3FB1] =	sst s2  }
0x8f: {  	_ = 	snop  }
0x90: {  	s2 =	sld [smem:$0x3FD0];
	_ =	sdelay $0x2  }
0x91: {  	s4 =	simm.s32 $0xB;
	s5 =	simm.s32 $0x10;
	s15 =	sld [smem:$0x3FC8]  }
0x92: {  	[smem:s5], [sflag:s4] =	dma.local [hbm:s2], $0x1  }
0x93: {  	_ =	swait.eq [sflag:s4], $0x1  }
0x94: {  	[sflag:s4] =	ssyncset.done $0x0  }
0x95: {  	[sflag:s4] =	ssyncadd.s32 $0xFFFFFFFF  }
0x96: {  	s16 =	sld [smem:$0x11];
	(tm) =	ssettm $0x1  }
0x97: {  	s17 =	sld [smem:$0x3FFB];
	_ =	sdelay $0x3  }
0x98: {  	_ =	strace s17  }
0x99: {  	s4 =	sld [smem:$0x3FFC];
	_ =	sdelay $0x3  }
0x9a: {  	_ =	strace s4  }
0x9b: {  	s4 =	sld [smem:$0x3FFD];
	_ =	sdelay $0x3  }
0x9c: {  	_ =	strace s4  }
0x9d: {  	_ =	strace $0x8FFFFFFF  }
0x9e: {  	s18 =	sld [smem:$0x3FDB];
	_ =	sdelay $0x1  }
0x9f: {  	s19 =	simm.s32 $_scs_section_size  }
0xa0: {  	s6 =	simm.s32 $_size__tile_overlayer_lowered;
	s7 =	simm.s32 $_tile_overlayer_lowered  }
0xa1: {  	s22 =	simm.s32 $0x1BFF;
	s21 =	sshll.u32 s7, $0x1;
	s4 =	sadd.s32 s19, s18  }
0xa2: {  	s8 =	simm.s32 $0x0;
	s20 =	sshll.u32 s6, $0x1;
	s6 =	sadd.s32 s21, s4  }
0xa3: {  	[timem:s8], [sflag:s22] =	dma.local [hbm:s6], s20  }
0xa4: {  	_ =	swait.ge [sflag:s22], s20  }
0xa5: {  	s5 =	ssub.s32 $0x0, s20;
	[sflag:s22] =	ssyncset.done $0x0  }
0xa6: {  	[sflag:s22] =	ssyncadd.s32 s5;
	_ =	sdelay $0x1  }
0xa7: {  	s23 =	simm.s32 $0x1B8B  }
0xa8: {  	_ =	swait.ge [sflag:s23], $0x1  }
0xa9: {  	[sflag:s23] =	ssyncset.done $0x0  }
0xaa: {  	s25 =	simm.s32 $0x1B8E;
	s24 =	sld [smem:$0x3FFE];
	[sflag:s23] =	ssyncadd.s32 $0xFFFFFFFF  }
0xab: {  	s26 =	simm.s32 $execute0_lowered;
	[smem:$0x3FD2] =	sst s25  }
0xac: {  	s6 =	sshll.u32 s26, $0x1;
	_ =	strace $0x80000049;
	[dreg:$0x1] =	wrdreg $0xFFFFFFFF  }
0xad: {  	s28 =	simm.s32 $_size_execute0_lowered;
	s4 =	sadd.s32 s4, s6;
	[dreg:$0x0] =	wrdreg $0x0  }
0xae: {  	s6 =	sshll.u32 s28, $0x1;
	[dreg:$0x2] =	wrdreg s4  }
0xaf: {  	[dreg:$0x3] =	wrdreg s6  }
0xb0: {  	[dreg:$0x4] =	wrdreg $0xC0  }
0xb1: {  	_ =	task [dreg:s8], $0x5FFFF  }
0xb2: {  	[dreg:$0x1] =	wrdreg $0xFFFFFFFF  }
0xb3: {  	[dreg:$0x0] =	wrdreg $0x60  }
0xb4: {  	[dreg:$0x2] =	wrdreg s24  }
0xb5: {  	[dreg:$0x3] =	wrdreg s15  }
0xb6: {  	[dreg:$0x4] =	wrdreg s16  }
0xb7: {  	[dreg:$0x5] =	wrdreg $0x6A400  }
0xb8: {  	[dreg:$0x6] =	wrdreg $0x1F1400  }
0xb9: {  	[dreg:$0x7] =	wrdreg $0xA  }
0xba: {  	_ =	task.clear_ibuf [dreg:s8], $0x8FFFF;
	_ =	strace $0x90000049  }
0xbb: {  	s29 =	simm.s32 $0xA;
	_ =	strace $0x8000004B  }
0xbc: {  	_ =	swait.ge [sflag:s29], $0x1  }
0xbd: {  	[sflag:s29] =	ssyncadd.s32 $0xFFFFFFFF  }
0xbe: {  	_ =	strace $0x9000004B  }
0xbf: {  	_ =	sfence  }
0xc0: {  	s30 =	sld [smem:$0x0];
	_ =	sdelay $0x2  }
0xc1: {  	s31 =	sshll.u32 s1, $0xD;
	s1 =	sshrl.u32 s1, $0x2  }
0xc2: {  	s3 =	sand.u32 $0x4000, s31;
	s1 =	sadd.s32 s1, s30  }
0xc3: {  	s0 =	sor.u32 s3, s0;
	s1 =	sshll.u32 s1, $0x11  }
0xc4: {  	s0 =	sor.u32 s1, s0  }
0xc5: {  	s0 =	sadd.s32 $0x8F2B, s0  }
0xc6: {  	[sflag:s0] =	ssyncadd.remote.s32 $0x1  }
0xc7: {  	_ =	sfence.sel $0xFFFF  }
0xc8: {  	[dreg:$0x0] =	wrdreg $0xFFFFFFFF;
	(pc) =	sbr.abs _section_cstart, $3  }
0xc9: {  	[dreg:$0x1] =	wrdreg $0xFFFFFFFF  }
0xca: {  	_ =	task.clear_ibuf [dreg:s8], $0x2FFFF;
	_ =	strace $0x9FFFFFFF  }
0xcb: {  	(tm) =	ssettm $0x7FFFFFFF  }
tec
execute0_lowered:
.L_overlay_start_1:
0x0: {  	(tag) =	ssettag $0x1  }
0x1: {  	s1 =	rddreg [dreg:$0x0]  }
0x2: {  	s0 =	rddreg [dreg:$0x1]  }
0x3: {  	s2 =	rddreg [dreg:$0x2];
	s16 =	stileid.u32  }
0x4: {  	s4 =	srdreg.scid;
	s8 =	smul.u32 $0xC38, s16  }
0x5: {  	s3 =	rddreg [dreg:$0x3];
	s5 =	simm.s32 $0x0;
	s12 =	smul.u32 $0x186A0, s16  }
0x6: {  	s7 =	sand.u32 $0x1, s4;
	s4 =	rddreg [dreg:$0x4];
	s13 =	smul.u32 $0x61A80, s16  }
0x7: {  	[smem:$0x7FF] =	sst s5;
	s6 =	sadd.s32 $0xDC0400, s1;
	s21 =	smul.u32 $0x61C00, s16  }
0x8: {  	p0 =	seq.s32 s16, $0xF;
	s18 =	smul.u32 $0xC350, s7;
	s7 =	ssub.s32 $0x2, s7  }
0x9: {  	s16 =	simm.s32 $0x1;
	_ =	strace $0x8000004A;
	s14 =	sshrl.u32 s7, $0x1  }
0xa: {  	s11 =	sadd.s32 $0xAF0, s8;
	s19 =	sshrl.u32 s12, $0x3;
	s20 =	sadd.s32 s6, s13  }
0xb: {  	s22 =	sshrl.u32 s21, $0x2;
	s23 =	sadd.s32 $0x190, s8;
	s26 =	sadd.s32 $0x320, s8  }
0xc: {  	s9 =	sadd.s32 s8, s18;
	s7 =	ssub.s32 s7, s14;
	s15 =	sshll.u32 s11, $0x5  }
0xd: {  	s17 =	sadd.s32 s11, s4;
	[dreg:$0x9] =	wrdreg s20;
	s11 =	sadd.s32 $0x190, s12  }
0xe: {  	s12 =	sadd.s32 $0x320, s12;
	s14 =	sadd.s32 s22, s3;
	s24 =	sshll.u32 s23, $0x5  }
0xf: {  	s28 =	sadd.s32 s23, s4;
	s22 =	sadd.s32 $0x7D0, s8;
	s23 =	sadd.s32 $0x960, s8  }
0x10: {  	v0 =	vmov s18;
	s18 =	simm.s32 $0x320;
	s10 =	sshrl.u32 s9, $0x3;
	[dreg:$0x7] =	wrdreg s17  }
0x11: {  	s9 =	sshll.u32 s9, $0x2;
	s25 =	smax.u32 s7, $0x1;
	[dreg:$0xc] =	wrdreg s28  }
0x12: {  	s7 =	sshll.u32 s26, $0x5;
	s17 =	sadd.s32 $0x640, s8;
	s28 =	sshll.u32 s23, $0x5  }
0x13: {  	s30 =	sadd.s32 s23, s4;
	s1 =	sadd.s32 s10, s1;
	s10 =	sadd.s32 s15, s3  }
0x14: {  	s13 =	sadd.s32 s2, s9;
	[dreg:$0xa] =	wrdreg s25;
	s9 =	sadd.s32 $0x4B0, s8  }
0x15: {  	s2 =	sadd.s32 s7, s3;
	s20 =	sshll.u32 s17, $0x5;
	s25 =	sshll.u32 s22, $0x5  }
0x16: {  	s29 =	sadd.s32 s28, s3;
	[dreg:$0x6] =	wrdreg s10;
	s10 =	sadd.s32 s0, s19  }
0x17: {  	s15 =	sadd.s32 $0x18B600, s1;
	s1 =	sadd.s32 s24, s3;
	[dreg:$0xd] =	wrdreg s2  }
0x18: {  	s21 =	sadd.s32 s9, s4;
	s24 =	sadd.s32 s8, s4;
	[dreg:$0x8] =	wrdreg s10  }
0x19: {  	s7 =	sadd.s32 s25, s3;
	s2 =	sadd.s32 $0xB748, s4;
	[dreg:$0xb] =	wrdreg s1  }
0x1a: {  	s8 =	simm.s32 $0x68B0;
	s10 =	sshll.u32 s9, $0x5;
	[dreg:$0x10] =	wrdreg s21  }
0x1b: {  	s1 =	sadd.s32 s26, s4;
	s26 =	sadd.s32 s17, s4;
	[dreg:$0x13] =	wrdreg s7  }
0x1c: {  	s2 =	sshrl.u32 @p0 s2, $0x3;
	s7 =	simm.s32 $0x5;
	[dreg:$0xe] =	wrdreg s1  }
0x1d: {  	s9 =	simm.s32 $0x190;
	s19 =	sadd.s32 s10, s3;
	[dreg:$0x12] =	wrdreg s26  }
0x1e: {  	s17 =	simm.s32 $0x2;
	s1 =	sadd.s32 s20, s3;
	[dreg:$0xf] =	wrdreg s19  }
0x1f: {  	s10 =	simm.s32 $0x36B0;
	[dreg:$0x11] =	wrdreg s1;
	s1 =	sadd.s32 s22, s4  }
0x20: {  	s20 =	simm.s32 $0x4;
	[dreg:$0x14] =	wrdreg s1;
	s1 =	sadd.s32 $0x16E900, s3  }
0x21: {  	v1 =	vimm.f32 $0.0e+00;
	v2 =	vimm.f32 $1.000000000e+00;
	s19 =	simm.s32 $0x3;
	s31 =	sshrl.u32 @p0 s1, $0x3;
	s1 =	simm.s32 $0x4B0  }
.LBB2_1:
0x22: {  	s21 =	simm.s32 $0x80;
	s22 =	simm.s32 $0x0  }
.LBB2_2:
0x23: {  	p1 =	sne.s32 s21, $0xC780;
	[tilespmem:s22+$0x4B0] =	vst v1;
	s23 =	smov.u32 s21;
	s21 =	sadd.s32 $0x80, s21  }
.Ltmp0:
0x24: {  	[tilespmem:s22+$0x4C0] =	vst v1;
	(pc) =	sbr.rel @p1 .LBB2_2-.Ltmp0, $2  }
0x25: {  	_ =	sdelay $0x2  }
0x26: {  	s22 =	sshra.s32 s23, $0x2  }
0x27: {  	[tilespmem:s22+$0x4B0] =	vst v1  }
0x28: {  	[tilespmem:s22+$0x4C0] =	vst v1  }
0x29: {  	[tilespmem:$0x68B0] =	vst v1  }
0x2a: {  	[tilespmem:$0x68C0] =	vst v1  }
0x2b: {  	[tilespmem:$0x68D0] =	vst v1  }
0x2c: {  	[tilespmem:$0x68E0] =	vst v1  }
0x2d: {  	[tilespmem:$0x68F0] =	vst v1  }
0x2e: {  	[tilespmem:$0x6900] =	vst v1  }
0x2f: {  	[tilespmem:$0x6910] =	vst v1  }
0x30: {  	[tilespmem:$0x6920] =	vst v1  }
0x31: {  	[tilespmem:$0x6930] =	vst v1  }
0x32: {  	[tilespmem:$0x6940] =	vst v1  }
0x33: {  	[tilespmem:$0x6950] =	vst v1  }
0x34: {  	[tilespmem:$0x6960] =	vst v1  }
0x35: {  	[tilespmem:$0x6970] =	vst v1  }
0x36: {  	[tilespmem:$0x6980] =	vst v1  }
0x37: {  	[tilespmem:$0x6990] =	vst v1  }
0x38: {  	[tilespmem:$0x69A0] =	vst v1  }
0x39: {  	[tilespmem:$0x69B0] =	vst v1  }
0x3a: {  	[tilespmem:$0x69C0] =	vst v1  }
0x3b: {  	[tilespmem:$0x69D0] =	vst v1  }
0x3c: {  	[tilespmem:$0x69E0] =	vst v1  }
0x3d: {  	[tilespmem:$0x69F0] =	vst v1  }
0x3e: {  	[tilespmem:$0x6A00] =	vst v1  }
0x3f: {  	[tilespmem:$0x6A10] =	vst v1  }
0x40: {  	[tilespmem:$0x6A20] =	vst v1  }
0x41: {  	[tilespmem:$0x6A30] =	vst v1  }
0x42: {  	[spmem:s14] =	stream.linear.scatter [tilespmem:s1], [sflag:$0x5], $0x3200, $0x38;
	[tilespmem:$0x1FD78] =	vst v63  }
0x43: {  	_ =	swait.ge [sflag:s7], $0x3200  }
0x44: {  	[sflag:s7] =	ssyncset.done $0x0  }
0x45: {  	[sflag:s7] =	ssyncadd.s32 $0xFFFFCE00  }
0x46: {  	[spmem:s24] =	stream.linear.scatter [tilespmem:s8], [sflag:$0x5], $0x190, $0x38;
	[tilespmem:$0x1FD78] =	vst v63  }
0x47: {  	_ =	swait.ge [sflag:s7], $0x190  }
0x48: {  	[sflag:s7] =	ssyncset.done $0x0  }
0x49: {  	s21 =	rddreg [dreg:$0xb];
	[sflag:s7] =	ssyncadd.s32 $0xFFFFFE70  }
0x4a: {  	[spmem:s21] =	stream.linear.scatter [tilespmem:s1], [sflag:$0x5], $0x3200, $0x38;
	[tilespmem:$0x1FD78] =	vst v63  }
0x4b: {  	_ =	swait.ge [sflag:s7], $0x3200  }
0x4c: {  	[sflag:s7] =	ssyncset.done $0x0  }
0x4d: {  	s25 =	rddreg [dreg:$0xc];
	[sflag:s7] =	ssyncadd.s32 $0xFFFFCE00  }
0x4e: {  	[spmem:s25] =	stream.linear.scatter [tilespmem:s8], [sflag:$0x5], $0x190, $0x38;
	[tilespmem:$0x1FD78] =	vst v63  }
0x4f: {  	_ =	swait.ge [sflag:s7], $0x190  }
0x50: {  	[sflag:s7] =	ssyncset.done $0x0  }
0x51: {  	s26 =	rddreg [dreg:$0xd];
	[sflag:s7] =	ssyncadd.s32 $0xFFFFFE70  }
0x52: {  	[spmem:s26] =	stream.linear.scatter [tilespmem:s1], [sflag:$0x5], $0x3200, $0x38;
	[tilespmem:$0x1FD78] =	vst v63  }
0x53: {  	_ =	swait.ge [sflag:s7], $0x3200  }
0x54: {  	[sflag:s7] =	ssyncset.done $0x0  }
0x55: {  	s28 =	rddreg [dreg:$0xe];
	[sflag:s7] =	ssyncadd.s32 $0xFFFFCE00  }
0x56: {  	[spmem:s28] =	stream.linear.scatter [tilespmem:s8], [sflag:$0x5], $0x190, $0x38;
	[tilespmem:$0x1FD78] =	vst v63  }
0x57: {  	_ =	swait.ge [sflag:s7], $0x190  }
0x58: {  	[sflag:s7] =	ssyncset.done $0x0  }
0x59: {  	s22 =	rddreg [dreg:$0xf];
	[sflag:s7] =	ssyncadd.s32 $0xFFFFFE70  }
0x5a: {  	[spmem:s22] =	stream.linear.scatter [tilespmem:s1], [sflag:$0x5], $0x3200, $0x38;
	[tilespmem:$0x1FD78] =	vst v63  }
0x5b: {  	_ =	swait.ge [sflag:s7], $0x3200  }
0x5c: {  	[sflag:s7] =	ssyncset.done $0x0  }
0x5d: {  	s23 =	rddreg [dreg:$0x10];
	[sflag:s7] =	ssyncadd.s32 $0xFFFFCE00  }
0x5e: {  	[spmem:s23] =	stream.linear.scatter [tilespmem:s8], [sflag:$0x5], $0x190, $0x38;
	[tilespmem:$0x1FD78] =	vst v63  }
0x5f: {  	_ =	swait.ge [sflag:s7], $0x190  }
0x60: {  	[sflag:s7] =	ssyncset.done $0x0  }
0x61: {  	s25 =	rddreg [dreg:$0x11];
	[sflag:s7] =	ssyncadd.s32 $0xFFFFFE70  }
0x62: {  	[spmem:s25] =	stream.linear.scatter [tilespmem:s1], [sflag:$0x5], $0x3200, $0x38;
	[tilespmem:$0x1FD78] =	vst v63  }
0x63: {  	_ =	swait.ge [sflag:s7], $0x3200  }
0x64: {  	[sflag:s7] =	ssyncset.done $0x0  }
0x65: {  	s26 =	rddreg [dreg:$0x12];
	[sflag:s7] =	ssyncadd.s32 $0xFFFFCE00  }
0x66: {  	[spmem:s26] =	stream.linear.scatter [tilespmem:s8], [sflag:$0x5], $0x190, $0x38;
	[tilespmem:$0x1FD78] =	vst v63  }
0x67: {  	_ =	swait.ge [sflag:s7], $0x190  }
0x68: {  	[sflag:s7] =	ssyncset.done $0x0  }
0x69: {  	s28 =	rddreg [dreg:$0x13];
	[sflag:s7] =	ssyncadd.s32 $0xFFFFFE70  }
0x6a: {  	[spmem:s28] =	stream.linear.scatter [tilespmem:s1], [sflag:$0x5], $0x3200, $0x38;
	[tilespmem:$0x1FD78] =	vst v63  }
0x6b: {  	_ =	swait.ge [sflag:s7], $0x3200  }
0x6c: {  	[sflag:s7] =	ssyncset.done $0x0  }
0x6d: {  	s22 =	rddreg [dreg:$0x14];
	[sflag:s7] =	ssyncadd.s32 $0xFFFFCE00  }
0x6e: {  	[spmem:s22] =	stream.linear.scatter [tilespmem:s8], [sflag:$0x5], $0x190, $0x38;
	[tilespmem:$0x1FD78] =	vst v63  }
0x6f: {  	_ =	swait.ge [sflag:s7], $0x190  }
0x70: {  	[sflag:s7] =	ssyncset.done $0x0  }
0x71: {  	[sflag:s7] =	ssyncadd.s32 $0xFFFFFE70  }
0x72: {  	[spmem:s29] =	stream.linear.scatter [tilespmem:s1], [sflag:$0x5], $0x3200, $0x38;
	[tilespmem:$0x1FD78] =	vst v63  }
0x73: {  	_ =	swait.ge [sflag:s7], $0x3200  }
0x74: {  	[sflag:s7] =	ssyncset.done $0x0  }
0x75: {  	[sflag:s7] =	ssyncadd.s32 $0xFFFFCE00  }
0x76: {  	[spmem:s30] =	stream.linear.scatter [tilespmem:s8], [sflag:$0x5], $0x190, $0x38;
	[tilespmem:$0x1FD78] =	vst v63  }
0x77: {  	_ =	swait.ge [sflag:s7], $0x190  }
0x78: {  	[sflag:s7] =	ssyncset.done $0x0  }
0x79: {  	s23 =	rddreg [dreg:$0x6];
	[sflag:s7] =	ssyncadd.s32 $0xFFFFFE70  }
0x7a: {  	[spmem:s23] =	stream.linear.scatter [tilespmem:s1], [sflag:$0x5], $0x2900, $0x38;
	[tilespmem:$0x1FD78] =	vst v63  }
0x7b: {  	_ =	swait.ge [sflag:s7], $0x2900  }
0x7c: {  	[sflag:s7] =	ssyncset.done $0x0  }
0x7d: {  	s25 =	rddreg [dreg:$0x7];
	[sflag:s7] =	ssyncadd.s32 $0xFFFFD700  }
0x7e: {  	[spmem:s25] =	stream.linear.scatter [tilespmem:s8], [sflag:$0x5], $0x148, $0x38;
	[tilespmem:$0x1FD78] =	vst v63  }
0x7f: {  	_ =	swait.ge [sflag:s7], $0x148  }
0x80: {  	[sflag:s7] =	ssyncset.done $0x0  }
0x81: {  	[sflag:s7] =	ssyncadd.s32 $0xFFFFFEB8  }
0x82: {  	[bflag:$0x0] =	sbarrier.arrive $0xFFFF  }
0x83: {  	[tilespmem:$0x68B0] =	vst v2  }
0x84: {  	[tilespmem:$0x68C0] =	vst v2  }
0x85: {  	[tilespmem:$0x68D0] =	vst v2  }
0x86: {  	[tilespmem:$0x68E0] =	vst v2  }
0x87: {  	[tilespmem:$0x68F0] =	vst v2  }
0x88: {  	[tilespmem:$0x6900] =	vst v2  }
0x89: {  	[tilespmem:$0x6910] =	vst v2  }
0x8a: {  	[tilespmem:$0x6920] =	vst v2  }
0x8b: {  	[tilespmem:$0x6930] =	vst v2  }
0x8c: {  	[tilespmem:$0x6940] =	vst v2  }
0x8d: {  	[tilespmem:$0x6950] =	vst v2  }
0x8e: {  	[tilespmem:$0x6960] =	vst v2  }
0x8f: {  	[tilespmem:$0x6970] =	vst v2  }
0x90: {  	[tilespmem:$0x6980] =	vst v2  }
0x91: {  	[tilespmem:$0x6990] =	vst v2  }
0x92: {  	[tilespmem:$0x69A0] =	vst v2  }
0x93: {  	[tilespmem:$0x69B0] =	vst v2  }
0x94: {  	[tilespmem:$0x69C0] =	vst v2  }
0x95: {  	[tilespmem:$0x69D0] =	vst v2  }
0x96: {  	[tilespmem:$0x69E0] =	vst v2  }
0x97: {  	[tilespmem:$0x69F0] =	vst v2  }
0x98: {  	[tilespmem:$0x6A00] =	vst v2  }
0x99: {  	[tilespmem:$0x6A10] =	vst v2  }
0x9a: {  	[tilespmem:$0x6A20] =	vst v2  }
0x9b: {  	s21 =	simm.s32 $0x0;
	[tilespmem:$0x6A30] =	vst v2;
	s26 =	rddreg [dreg:$0x8]  }
0x9c: {  	[tilespmem:s21], [sflag:$0x1] =	stream.linear.gather [hbm4b:s26+s21], $0x190, $0x38;
	[tilespmem:$0x1FD78] =	vst v63  }
0x9d: {  	s22 =	simm.s32 $0x0;
	s28 =	rddreg [dreg:$0x9]  }
0x9e: {  	[tilespmem:s1], [sflag:$0x2] =	stream.linear.gather [hbm4b:s28+s21], $0x3200, $0x38;
	[tilespmem:$0x1FD78] =	vst v63  }
.LBB2_4:
0x9f: {  	s23 =	smul.u32 $0x320, s22;
	_ =	sdelay $0x1  }
0xa0: {  	s25 =	sadd.s32 s23, s11  }
0xa1: {  	s26 =	sshrl.u32 s25, $0x3  }
0xa2: {  	s25 =	sshll.u32 s25, $0x2;
	s26 =	sadd.s32 s0, s26  }
0xa3: {  	[tilespmem:s9], [sflag:$0x3] =	stream.linear.gather [hbm4b:s26+s21], $0x190, $0x38;
	[tilespmem:$0x1FD78] =	vst v63  }
0xa4: {  	s25 =	sadd.s32 s6, s25  }
0xa5: {  	[tilespmem:s10], [sflag:$0x4] =	stream.linear.gather [hbm4b:s25+s21], $0x3200, $0x38;
	[tilespmem:$0x1FD78] =	vst v63  }
0xa6: {  	_ =	swait.ge [sflag:s16], $0x190  }
0xa7: {  	[sflag:s16] =	ssyncset.done $0x0  }
0xa8: {  	[sflag:s16] =	ssyncadd.s32 $0xFFFFFE70  }
0xa9: {  	_ =	swait.ge [sflag:s17], $0x3200  }
0xaa: {  	[sflag:s17] =	ssyncset.done $0x0  }
0xab: {  	s25 =	simm.s32 $0x0;
	[sflag:s17] =	ssyncadd.s32 $0xFFFFCE00  }
0xac: {  	s26 =	simm.s32 $0x40;
	v3 =	vld [tilespmem:s25+$0x0]  }
.LBB2_5:
0xad: {  	_ =	sdelay $0x1  }
0xae: {  	p1 =	sne.s32 s26, $0x600  }
.Ltmp1:
0xaf: {  	_ = 	snop;
	(pc) =	sbr.rel @p1 .LBB2_5-.Ltmp1, $4  }
0xb0: {  	v4 =	vsub.s32 v3, v0;
	v5 =	vand.u32 $0x1F, v3  }
0xb1: {  	vm0 =	vlt.u32 v4, $0xC350;
	v5 =	vadd.s32 $0xC350, v5  }
0xb2: {  	s28 =	sshra.s32 s26, $0x2;
	v4 =	vsel vm0, v4, v5  }
0xb3: {  	s26 =	sadd.s32 $0x40, s26;
	v3 =	vld [tilespmem:s28+$0x0];
	[tilespmem:s25+$0x320] =	vst v4;
	s25 =	smov.u32 s28  }
0xb4: {  	_ =	sdelay $0x3  }
0xb5: {  	v4 =	vsub.s32 v3, v0;
	v3 =	vand.u32 $0x1F, v3  }
0xb6: {  	vm0 =	vlt.u32 v4, $0xC350;
	v3 =	vadd.s32 $0xC350, v3  }
0xb7: {  	v3 =	vsel vm0, v4, v3  }
0xb8: {  	[tilespmem:s25+$0x320] =	vst v3  }
0xb9: {  	[spmem:s3] =	stream.indirect.scatter.add.f32 [tilespmem:s1], [sflag:$0x5], $0x20, s18, s9, $0xb8;
	[tilespmem:$0x1FD78] =	vst v63  }
0xba: {  	_ =	swait.ge [sflag:s7], $0x3200  }
0xbb: {  	[sflag:s7] =	ssyncset.done $0x0  }
0xbc: {  	p1 =	seq.s32 s22, $0x7C;
	[sflag:s7] =	ssyncadd.s32 $0xFFFFCE00  }
0xbd: {  	[spmem:s4] =	stream.indirect.scatter.add.f32 [tilespmem:s8], [sflag:$0x5], $0x1, s18, s9, $0xb8;
	[tilespmem:$0x1FD78] =	vst v63  }
0xbe: {  	s23 =	sadd.s32 @!p1 s23, s12;
	_ =	swait.ge [sflag:s7], $0x190  }
0xbf: {  	s26 =	simm.s32 @!p1 $0x0;
	s25 =	sshrl.u32 @!p1 s23, $0x3;
	[sflag:s7] =	ssyncset.done $0x0  }
0xc0: {  	s23 =	sshll.u32 @!p1 s23, $0x2;
	s25 =	sadd.s32 @!p1 s0, s25;
	[sflag:s7] =	ssyncadd.s32 $0xFFFFFE70  }
0xc1: {  	[tilespmem:s26], [sflag:$0x1] =	stream.linear.gather @!p1 [hbm4b:s25+s26], $0x190, $0x38;
	[tilespmem:$0x1FD78] =	vst v63  }
0xc2: {  	s23 =	sadd.s32 @!p1 s6, s23;
	s25 =	simm.s32 @!p1 $0x4B0  }
0xc3: {  	[tilespmem:s25], [sflag:$0x2] =	stream.linear.gather @!p1 [hbm4b:s23+s26], $0x3200, $0x38;
	[tilespmem:$0x1FD78] =	vst v63  }
0xc4: {  	_ =	swait.ge [sflag:s19], $0x190  }
0xc5: {  	[sflag:s19] =	ssyncset.done $0x0  }
0xc6: {  	[sflag:s19] =	ssyncadd.s32 $0xFFFFFE70  }
0xc7: {  	_ =	swait.ge [sflag:s20], $0x3200  }
0xc8: {  	[sflag:s20] =	ssyncset.done $0x0  }
0xc9: {  	s23 =	simm.s32 $0x0;
	[sflag:s20] =	ssyncadd.s32 $0xFFFFCE00  }
0xca: {  	s25 =	simm.s32 $0x40;
	v3 =	vld [tilespmem:s23+$0x190]  }
.LBB2_7:
0xcb: {  	_ =	sdelay $0x1  }
0xcc: {  	p1 =	sne.s32 s25, $0x600  }
.Ltmp2:
0xcd: {  	_ = 	snop;
	(pc) =	sbr.rel @p1 .LBB2_7-.Ltmp2, $4  }
0xce: {  	v4 =	vsub.s32 v3, v0;
	v5 =	vand.u32 $0x1F, v3  }
0xcf: {  	vm0 =	vlt.u32 v4, $0xC350;
	v5 =	vadd.s32 $0xC350, v5  }
0xd0: {  	s26 =	sshra.s32 s25, $0x2;
	v4 =	vsel vm0, v4, v5  }
0xd1: {  	s25 =	sadd.s32 $0x40, s25;
	v3 =	vld [tilespmem:s26+$0x190];
	[tilespmem:s23+$0x320] =	vst v4;
	s23 =	smov.u32 s26  }
0xd2: {  	_ =	sdelay $0x3  }
0xd3: {  	v4 =	vsub.s32 v3, v0;
	v3 =	vand.u32 $0x1F, v3  }
0xd4: {  	vm0 =	vlt.u32 v4, $0xC350;
	v3 =	vadd.s32 $0xC350, v3  }
0xd5: {  	v3 =	vsel vm0, v4, v3  }
0xd6: {  	[tilespmem:s23+$0x320] =	vst v3  }
0xd7: {  	[spmem:s3] =	stream.indirect.scatter.add.f32 [tilespmem:s10], [sflag:$0x5], $0x20, s18, s9, $0xb8;
	[tilespmem:$0x1FD78] =	vst v63  }
0xd8: {  	s22 =	sadd.s32 $0x1, s22;
	_ =	swait.ge [sflag:s7], $0x3200  }
0xd9: {  	p1 =	sne.s32 s22, $0x7D;
	[sflag:s7] =	ssyncset.done $0x0  }
.Ltmp3:
0xda: {  	[sflag:s7] =	ssyncadd.s32 $0xFFFFCE00;
	(pc) =	sbr.rel @p1 .LBB2_4-.Ltmp3, $4  }
0xdb: {  	[spmem:s4] =	stream.indirect.scatter.add.f32 [tilespmem:s8], [sflag:$0x5], $0x1, s18, s9, $0xb8;
	[tilespmem:$0x1FD78] =	vst v63  }
0xdc: {  	_ =	swait.ge [sflag:s7], $0x190  }
0xdd: {  	[sflag:s7] =	ssyncset.done $0x0  }
0xde: {  	[sflag:s7] =	ssyncadd.s32 $0xFFFFFE70  }
0xdf: {  	[bflag:$0x0] =	sbarrier.arrive $0xFFFF;
	s21 =	simm.s32 @p0 $0x1FC5;
	s22 =	simm.s32 @p0 $0x5  }
0xe0: {  	[hbm:s13], [sflag:s21] =	dma.local @p0 [spmem:s31], $0x3020  }
0xe1: {  	_ =	swait.ge @p0 [sflag:s22], $0x3020  }
0xe2: {  	[sflag:s22] =	ssyncset.done @p0 $0x0  }
0xe3: {  	[sflag:s22] =	ssyncadd.s32 @p0 $0xFFFFCFE0  }
0xe4: {  	[hbm:s15], [sflag:s21] =	dma.local @p0 [spmem:s2], $0x181  }
0xe5: {  	s21 =	stileid.u32;
	_ =	swait.ge @p0 [sflag:s22], $0x181  }
0xe6: {  	s21 =	sshll.u32 @!p0 s21, $0x6;
	[sflag:s22] =	ssyncset.done @p0 $0x0  }
0xe7: {  	s21 =	sor.u32 @!p0 $0x1C05, s21;
	[sflag:s22] =	ssyncadd.s32 @p0 $0xFFFFFE7F;
	s22 =	sshrl.u32 @!p0 s14, $0x3  }
0xe8: {  	[hbm:s13], [sflag:s21] =	dma.local @!p0 [spmem:s22], $0x30E0  }
0xe9: {  	s22 =	simm.s32 @!p0 $0x5  }
0xea: {  	_ =	swait.ge @!p0 [sflag:s22], $0x30E0  }
0xeb: {  	[sflag:s22] =	ssyncset.done @!p0 $0x0  }
0xec: {  	s23 =	sshrl.u32 @!p0 s24, $0x3;
	[sflag:s22] =	ssyncadd.s32 @!p0 $0xFFFFCF20  }
0xed: {  	[hbm:s15], [sflag:s21] =	dma.local @!p0 [spmem:s23], $0x187  }
0xee: {  	_ =	swait.ge @!p0 [sflag:s22], $0x187  }
0xef: {  	s5 =	sadd.s32 $0x1, s5;
	s28 =	rddreg [dreg:$0xa]  }
0xf0: {  	p1 =	sne.s32 s5, s28  }
.Ltmp4:
0xf1: {  	_ = 	snop;
	(pc) =	sbr.rel @p1 .LBB2_1-.Ltmp4, $3  }
0xf2: {  	_ =	sdelay $0x1  }
0xf3: {  	[sflag:s22] =	ssyncset.done @!p0 $0x0  }
0xf4: {  	[sflag:s22] =	ssyncadd.s32 @!p0 $0xFFFFFE79  }
0xf5: {  	_ =	sfence.sel $0x180000  }
0xf6: {  	[bflag:$0x0] =	sbarrier.arrive $0xFFFF  }
0xf7: {  	_ =	strace $0x9000004A  }
0xf8: {  	s0 =	stileid.u32;
	[bflag:$0x2] =	sbarrier.arrive $0xFFFF  }
0xf9: {  	p0 =	sne.s32 s0, $0x0;
	s0 =	rddreg [dreg:$0x5]  }
0xfa: {  	s0 =	sadd.s32 @!p0 $0x100000, s0  }
0xfb: {  	[sflag:s0] =	ssyncadd.tile.s32 @!p0 $0x1;
	_ =	shalt  }
.Lfunc_end2:
_tile_overlayer_lowered:
.L_overlay_start_2:
0xfc: {  	(tag) =	ssettag $0x2  }
0xfd: {  	s0 =	rddreg [dreg:$0x0];
	s2 =	stileid.u32  }
0xfe: {  	s1 =	rddreg [dreg:$0x1];
	p0 =	sne.s32 s2, $0x0  }
0xff: {  	s3 =	rddreg [dreg:$0x2];
	[bflag:$0x3] =	sbarrier.arrive $0xFFFF;
	s2 =	simm.s32 @!p0 $0x1C05  }
0x100: {  	[timem:s3], [sflag:s2] =	dma.local @!p0 [hbm:s0], s1  }
0x101: {  	s0 =	simm.s32 @!p0 $0x5  }
0x102: {  	_ =	swait.ge @!p0 [sflag:s0], s1  }
0x103: {  	s1 =	ssub.s32 @!p0 $0x0, s1;
	[sflag:s0] =	ssyncset.done @!p0 $0x0  }
0x104: {  	[sflag:s0] =	ssyncadd.s32 @!p0 s1  }
0x105: {  	[bflag:$0x3] =	sbarrier.arrive $0xFFFF  }
0x106: {  	_ =	shalt  }

// kernel: kernel.7.cloned.1.call-start
scs
__scs_entry_jumppad:
0x0: {  	(pc) =	sbr.rel $0x88, $3  }
0x1: {  	(tag) =	ssettag $0x0;
	lr =	simm.s32 $0x1  }
0x2: {  	[smem:$0x3F8A] =	sst lr;
	_ =	strace $0xD0000000  }
0x3: {  	_ = 	snop  }
0x4: {  	_ = 	snop  }
0x5: {  	_ = 	snop  }
0x6: {  	_ = 	snop  }
0x7: {  	_ = 	snop  }
__scs_overlays_trampoline_lowered:
0x8: {  	[smem:$0x3F99] =	sst s0  }
0x9: {  	[smem:$0x3F9A] =	sst s1  }
0xa: {  	[smem:$0x3F9B] =	sst s2  }
0xb: {  	[smem:$0x3F9C] =	sst s3  }
0xc: {  	[smem:$0x3F9D] =	sst s4  }
0xd: {  	[smem:$0x3F9E] =	sst s5  }
0xe: {  	[smem:$0x3F9F] =	sst s6  }
0xf: {  	[smem:$0x3FA0] =	sst s7  }
0x10: {  	[smem:$0x3FA1] =	sst s8  }
0x11: {  	[smem:$0x3FA2] =	sst s9;
	s0 =	simm.s32 @!p0 $0x0  }
0x12: {  	s1 =	sld [smem:$0x3F88];
	s0 =	simm.s32 @p0 $0x1  }
0x13: {  	[smem:$0x3FA3] =	sst s0;
	s0 =	simm.s32 @!p1 $0x0  }
0x14: {  	s2 =	sld [smem:$0x3F87];
	s0 =	simm.s32 @p1 $0x1  }
0x15: {  	[smem:$0x3FA4] =	sst s0;
	s0 =	simm.s32 @!p2 $0x0  }
0x16: {  	s3 =	sld [smem:$0x3FDB];
	s0 =	simm.s32 @p2 $0x1  }
0x17: {  	s4 =	simm.s32 $0x1BF5;
	[smem:$0x3FA6] =	sst s0  }
0x18: {  	s0 =	sld [smem:$0x3F89];
	_ =	swait.ge [sflag:s4], $0x0  }
0x19: {  	s7 =	sld [smem:$0x3F8A]  }
0x1a: {  	s8 =	sadd.s32 $0xFFFFE003, lr  }
0x1b: {  	s9 =	sadd.s32 $0xFFFFFEF7, lr;
	s5 =	simm.s32 $0xFFFFFFFF;
	p2 =	slt.u32 s8, $0xFFFFF086  }
0x1c: {  	p1 =	slt.u32 s9, $0xF7A;
	s5 =	simm.s32 @!p2 $0x0  }
0x1d: {  	s5 =	simm.s32 @p1 $0x1;
	p0 =	seq.s32 s7, s2  }
0x1e: {  	s7 =	smul.u32 @!p0 $0xF7A, s2;
	p2 =	seq.s32 @!p0 s5, $0x0  }
0x1f: {  	s9 =	smul.u32 $0xF7A, s1;
	s8 =	simm.s32 @!p0 $0x1BF5;
	p2 =	por !p2, p0  }
0x20: {  	[sflag:s8] =	ssyncset.s32 @!p0 $0xFFFFF086;
	s6 =	sadd.s32 @!p0 s3, s7;
	s7 =	simm.s32 @!p0 $0x108  }
0x21: {  	s3 =	sadd.s32 s3, s9;
	s6 =	sadd.s32 @!p0 $0x88, s6;
	s7 =	simm.s32 @p2 $0x1082  }
0x22: {  	[simem:s7], [sflag:s8] =	dma.local @!p0 [hbm:s6], $0xF7A  }
0x23: {  	s9 =	sor.u32 $0xD0000000, s2;
	s6 =	simm.s32 $0x108;
	_ =	swait.ge @!p0 [sflag:s8], $0x0  }
0x24: {  	s3 =	sadd.s32 $0x88, s3;
	s6 =	simm.s32 @!p1 $0x1082;
	[sflag:s4] =	ssyncset.s32 $0xFFFFF086  }
0x25: {  	[simem:s6], [sflag:s4] =	dma.local [hbm:s3], $0xF7A  }
0x26: {  	[smem:$0x3F8A] =	sst s1;
	(tag) =	ssettag s2;
	_ =	strace s9  }
0x27: {  	s1 =	sld [smem:$0x3F9A]  }
0x28: {  	s2 =	sld [smem:$0x3F9B]  }
0x29: {  	s4 =	sld [smem:$0x3F9D]  }
0x2a: {  	p0 =	seq.s32 s5, $0x0;
	s5 =	sld [smem:$0x3F9E]  }
0x2b: {  	s6 =	sld [smem:$0x3F9F]  }
0x2c: {  	s7 =	sld [smem:$0x3FA0]  }
0x2d: {  	s3 =	simm.s32 $0x108;
	s8 =	sld [smem:$0x3FA1]  }
0x2e: {  	s3 =	simm.s32 @!p0 $0x1082;
	s9 =	sld [smem:$0x3FA2]  }
0x2f: {  	lr =	sadd.s32 s0, s3;
	s0 =	sld [smem:$0x3F99]  }
0x30: {  	s3 =	sld [smem:$0x3F9C]  }
0x31: {  	[smem:$0x3FA5] =	sst s10  }
0x32: {  	s10 =	sld [smem:$0x3FA3];
	_ =	sdelay $0x3  }
0x33: {  	p0 =	seq.s32 s10, $0x1;
	s10 =	sld [smem:$0x3FA5];
	_ =	sdelay $0x3  }
0x34: {  	[smem:$0x3FA5] =	sst s10  }
0x35: {  	s10 =	sld [smem:$0x3FA4];
	_ =	sdelay $0x3  }
0x36: {  	p1 =	seq.s32 s10, $0x1;
	s10 =	sld [smem:$0x3FA5];
	_ =	sdelay $0x3  }
0x37: {  	[smem:$0x3FA5] =	sst s10  }
0x38: {  	s10 =	sld [smem:$0x3FA6]  }
0x39: {  	_ = 	snop;
	(pc) =	sbr.ind lr, $3  }
0x3a: {  	_ = 	snop  }
0x3b: {  	_ = 	snop  }
0x3c: {  	p2 =	seq.s32 s10, $0x1;
	s10 =	sld [smem:$0x3FA5]  }
0x3d: {  	_ =	shalt  }
0x3e: {  	_ =	shalt  }
0x3f: {  	_ =	shalt  }
0x40: {  	_ =	shalt  }
0x41: {  	_ =	shalt  }
0x42: {  	_ =	shalt  }
0x43: {  	_ =	shalt  }
0x44: {  	_ =	shalt  }
0x45: {  	_ =	shalt  }
0x46: {  	_ =	shalt  }
0x47: {  	_ =	shalt  }
0x48: {  	_ =	shalt  }
0x49: {  	_ =	shalt  }
0x4a: {  	_ =	shalt  }
0x4b: {  	_ =	shalt  }
0x4c: {  	_ =	shalt  }
0x4d: {  	_ =	shalt  }
0x4e: {  	_ =	shalt  }
0x4f: {  	_ =	shalt  }
0x50: {  	_ =	shalt  }
0x51: {  	_ =	shalt  }
0x52: {  	_ =	shalt  }
0x53: {  	_ =	shalt  }
0x54: {  	_ =	shalt  }
0x55: {  	_ =	shalt  }
0x56: {  	_ =	shalt  }
0x57: {  	_ =	shalt  }
0x58: {  	_ =	shalt  }
0x59: {  	_ =	shalt  }
0x5a: {  	_ =	shalt  }
0x5b: {  	_ =	shalt  }
0x5c: {  	_ =	shalt  }
0x5d: {  	_ =	shalt  }
0x5e: {  	_ =	shalt  }
0x5f: {  	_ =	shalt  }
0x60: {  	_ =	shalt  }
0x61: {  	_ =	shalt  }
0x62: {  	_ =	shalt  }
0x63: {  	_ =	shalt  }
0x64: {  	_ =	shalt  }
0x65: {  	_ =	shalt  }
0x66: {  	_ =	shalt  }
0x67: {  	_ =	shalt  }
0x68: {  	_ =	shalt  }
0x69: {  	_ =	shalt  }
0x6a: {  	_ =	shalt  }
0x6b: {  	_ =	shalt  }
0x6c: {  	_ =	shalt  }
0x6d: {  	_ =	shalt  }
0x6e: {  	_ =	shalt  }
0x6f: {  	_ =	shalt  }
0x70: {  	_ =	shalt  }
0x71: {  	_ =	shalt  }
0x72: {  	_ =	shalt  }
0x73: {  	_ =	shalt  }
0x74: {  	_ =	shalt  }
0x75: {  	_ =	shalt  }
0x76: {  	_ =	shalt  }
0x77: {  	_ =	shalt  }
0x78: {  	_ =	shalt  }
0x79: {  	_ =	shalt  }
0x7a: {  	_ =	shalt  }
0x7b: {  	_ =	shalt  }
0x7c: {  	_ =	shalt  }
0x7d: {  	_ =	shalt  }
0x7e: {  	_ =	shalt  }
0x7f: {  	_ =	shalt  }
0x80: {  	_ =	shalt  }
0x81: {  	_ =	shalt  }
0x82: {  	_ =	shalt  }
0x83: {  	_ =	shalt  }
0x84: {  	_ =	shalt  }
0x85: {  	_ =	shalt  }
0x86: {  	_ =	shalt  }
0x87: {  	_ =	shalt  }
.Lfunc_end0:
.L_simem_size_0:
called_computation.1_lowered:
.L_overlay_start_0:
0x88: {  	s2 =	sld [smem:$0x3FD9]  }
0x89: {  	s3 =	sld [smem:$0x3FFE];
	_ =	sdelay $0x1  }
0x8a: {  	s1 =	srdreg.scid  }
0x8b: {  	s0 =	sand.u32 $0x1, s1  }
0x8c: {  	s14 =	sshll.u32 s0, $0xA;
	s2 =	sadd.s32 s3, s2  }
0x8d: {  	s2 =	sadd.s32 s2, s14  }
0x8e: {  	[smem:$0x3FB1] =	sst s2  }
0x8f: {  	_ = 	snop  }
0x90: {  	s2 =	sld [smem:$0x3FD0];
	_ =	sdelay $0x1  }
0x91: {  	s15 =	sld [smem:$0x3FC8]  }
0x92: {  	s5 =	simm.s32 $0xB;
	s6 =	simm.s32 $0x10;
	s4 =	sld [smem:$0x3FC7]  }
0x93: {  	[smem:s6], [sflag:s5] =	dma.local [hbm:s2], $0x1  }
0x94: {  	_ =	swait.eq [sflag:s5], $0x1  }
0x95: {  	[sflag:s5] =	ssyncset.done $0x0  }
0x96: {  	[sflag:s5] =	ssyncadd.s32 $0xFFFFFFFF  }
0x97: {  	s16 =	sld [smem:$0x11];
	(tm) =	ssettm $0x1  }
0x98: {  	s17 =	sld [smem:$0x3FFB];
	_ =	sdelay $0x3  }
0x99: {  	_ =	strace s17  }
0x9a: {  	s5 =	sld [smem:$0x3FFC];
	_ =	sdelay $0x3  }
0x9b: {  	_ =	strace s5  }
0x9c: {  	s5 =	sld [smem:$0x3FFD];
	_ =	sdelay $0x3  }
0x9d: {  	_ =	strace s5  }
0x9e: {  	_ =	strace $0x8FFFFFFF  }
0x9f: {  	s18 =	sld [smem:$0x3FDB];
	_ =	sdelay $0x1  }
0xa0: {  	s19 =	simm.s32 $_scs_section_size  }
0xa1: {  	s7 =	simm.s32 $_size__tile_overlayer_lowered;
	s8 =	simm.s32 $_tile_overlayer_lowered  }
0xa2: {  	s22 =	simm.s32 $0x1BFF;
	s21 =	sshll.u32 s8, $0x1;
	s5 =	sadd.s32 s19, s18  }
0xa3: {  	s9 =	simm.s32 $0x0;
	s20 =	sshll.u32 s7, $0x1;
	s7 =	sadd.s32 s21, s5  }
0xa4: {  	[timem:s9], [sflag:s22] =	dma.local [hbm:s7], s20  }
0xa5: {  	_ =	swait.ge [sflag:s22], s20  }
0xa6: {  	s6 =	ssub.s32 $0x0, s20;
	[sflag:s22] =	ssyncset.done $0x0  }
0xa7: {  	[sflag:s22] =	ssyncadd.s32 s6;
	_ =	sdelay $0x1  }
0xa8: {  	s23 =	simm.s32 $0x1B8B  }
0xa9: {  	_ =	swait.ge [sflag:s23], $0x1  }
0xaa: {  	[sflag:s23] =	ssyncset.done $0x0  }
0xab: {  	s25 =	simm.s32 $0x1B8E;
	s24 =	sld [smem:$0x3FFE];
	[sflag:s23] =	ssyncadd.s32 $0xFFFFFFFF  }
0xac: {  	s26 =	simm.s32 $execute0_lowered;
	[smem:$0x3FD2] =	sst s25  }
0xad: {  	s7 =	sshll.u32 s26, $0x1;
	_ =	strace $0x80000046;
	[dreg:$0x1] =	wrdreg $0xFFFFFFFF  }
0xae: {  	s28 =	simm.s32 $_size_execute0_lowered;
	s5 =	sadd.s32 s5, s7;
	[dreg:$0x0] =	wrdreg $0x0  }
0xaf: {  	s7 =	sshll.u32 s28, $0x1;
	[dreg:$0x2] =	wrdreg s5  }
0xb0: {  	[dreg:$0x3] =	wrdreg s7  }
0xb1: {  	[dreg:$0x4] =	wrdreg $0xC0  }
0xb2: {  	_ =	task [dreg:s9], $0x5FFFF  }
0xb3: {  	[dreg:$0x1] =	wrdreg $0xFFFFFFFF  }
0xb4: {  	[dreg:$0x0] =	wrdreg $0x60  }
0xb5: {  	[dreg:$0x2] =	wrdreg s16  }
0xb6: {  	[dreg:$0x3] =	wrdreg s15  }
0xb7: {  	[dreg:$0x4] =	wrdreg s4  }
0xb8: {  	[dreg:$0x5] =	wrdreg s24  }
0xb9: {  	[dreg:$0x6] =	wrdreg $0x9  }
0xba: {  	_ =	task.clear_ibuf [dreg:s9], $0x7FFFF;
	_ =	strace $0x90000046  }
0xbb: {  	s29 =	simm.s32 $0x9;
	_ =	strace $0x80000048  }
0xbc: {  	_ =	swait.ge [sflag:s29], $0x1  }
0xbd: {  	[sflag:s29] =	ssyncadd.s32 $0xFFFFFFFF  }
0xbe: {  	_ =	strace $0x90000048  }
0xbf: {  	_ =	sfence  }
0xc0: {  	s30 =	sld [smem:$0x0];
	_ =	sdelay $0x2  }
0xc1: {  	s31 =	sshll.u32 s1, $0xD;
	s1 =	sshrl.u32 s1, $0x2  }
0xc2: {  	s3 =	sand.u32 $0x4000, s31;
	s1 =	sadd.s32 s1, s30  }
0xc3: {  	s0 =	sor.u32 s3, s0;
	s1 =	sshll.u32 s1, $0x11  }
0xc4: {  	s0 =	sor.u32 s1, s0  }
0xc5: {  	s0 =	sadd.s32 $0x8F2B, s0  }
0xc6: {  	[sflag:s0] =	ssyncadd.remote.s32 $0x1  }
0xc7: {  	_ =	sfence.sel $0xFFFF  }
0xc8: {  	[dreg:$0x0] =	wrdreg $0xFFFFFFFF;
	(pc) =	sbr.abs _section_cstart, $3  }
0xc9: {  	[dreg:$0x1] =	wrdreg $0xFFFFFFFF  }
0xca: {  	_ =	task.clear_ibuf [dreg:s9], $0x2FFFF;
	_ =	strace $0x9FFFFFFF  }
0xcb: {  	(tm) =	ssettm $0x7FFFFFFF  }
tec
execute0_lowered:
.L_overlay_start_1:
0x0: {  	(tag) =	ssettag $0x1  }
0x1: {  	s1 =	rddreg [dreg:$0x0]  }
0x2: {  	s8 =	rddreg [dreg:$0x1]  }
0x3: {  	s7 =	rddreg [dreg:$0x2]  }
0x4: {  	s0 =	stileid.u32;
	s2 =	srdreg.scid  }
0x5: {  	s4 =	rddreg [dreg:$0x3];
	s5 =	smul.u32 $0x61A80, s0  }
0x6: {  	s3 =	simm.s32 $0x0;
	s6 =	sand.u32 $0x1, s2;
	s11 =	smul.u32 $0x186A0, s0  }
0x7: {  	s2 =	rddreg [dreg:$0x4];
	s9 =	smul.u32 $0x30D40, s6;
	s10 =	ssub.s32 $0x2, s6  }
0x8: {  	[smem:$0x7FF] =	sst s3;
	s6 =	smul.u32 $0xC350, s6;
	s12 =	sshrl.u32 s10, $0x1  }
0x9: {  	_ =	strace $0x80000047;
	s5 =	sadd.s32 s5, s4;
	s29 =	ssub.s32 s10, s12  }
0xa: {  	s9 =	sadd.s32 s9, s5;
	s30 =	sadd.s32 s6, s11;
	s10 =	simm.s32 $0x7D0  }
0xb: {  	s11 =	simm.s32 $0x1;
	s12 =	simm.s32 $0x0;
	s4 =	smax.u32 s29, $0x1  }
0xc: {  	s5 =	sadd.s32 $0x7A5C00, s9;
	s6 =	sadd.s32 $0x18B400, s9;
	s31 =	sshrl.u32 s30, $0x3  }
0xd: {  	s9 =	simm.s32 $0x2;
	s7 =	sadd.s32 s31, s7;
	s8 =	sadd.s32 s31, s8  }
.LBB2_1:
0xe: {  	s13 =	sadd.s32 $0x0, s8  }
0xf: {  	[tilespmem:s3], [sflag:$0x2] =	stream.linear.gather [hbm4b:s13+s3], $0x7D0, $0x38;
	[tilespmem:$0x101D0] =	vst v63  }
0x10: {  	_ =	swait.ge [sflag:s9], $0x7D0  }
0x11: {  	[sflag:s9] =	ssyncset.done $0x0  }
0x12: {  	[sflag:s9] =	ssyncadd.s32 $0xFFFFF830  }
0x13: {  	[tilespmem:s10], [sflag:$0x1] =	stream.indirect.gather [hbm4b:s1+s10], $0x20, s3, s10, $0xb8;
	[tilespmem:$0x101D0] =	vst v63  }
0x14: {  	_ =	swait.ge [sflag:s11], $0xFA00  }
0x15: {  	[sflag:s11] =	ssyncset.done $0x0  }
0x16: {  	[sflag:s11] =	ssyncadd.s32 $0xFFFF0600  }
0x17: {  	[hbm4b:s6+s3] =	stream.linear.scatter [tilespmem:s10], [sflag:$0x2], $0xFA00, $0x38;
	[tilespmem:$0x101D0] =	vst v63  }
0x18: {  	_ =	swait.ge [sflag:s9], $0xFA00  }
0x19: {  	[sflag:s9] =	ssyncset.done $0x0  }
0x1a: {  	s31 =	sadd.s32 $0x0, s7;
	[sflag:s9] =	ssyncadd.s32 $0xFFFF0600  }
0x1b: {  	[tilespmem:s3], [sflag:$0x2] =	stream.linear.gather [hbm4b:s31+s3], $0x7D0, $0x38;
	[tilespmem:$0x101D0] =	vst v63  }
0x1c: {  	_ =	swait.ge [sflag:s9], $0x7D0  }
0x1d: {  	[sflag:s9] =	ssyncset.done $0x0  }
0x1e: {  	[sflag:s9] =	ssyncadd.s32 $0xFFFFF830  }
0x1f: {  	[tilespmem:s10], [sflag:$0x1] =	stream.indirect.gather [hbm4b:s1+s10], $0x20, s3, s10, $0xb8;
	[tilespmem:$0x101D0] =	vst v63  }
0x20: {  	_ =	swait.ge [sflag:s11], $0xFA00  }
0x21: {  	[sflag:s11] =	ssyncset.done $0x0  }
0x22: {  	[sflag:s11] =	ssyncadd.s32 $0xFFFF0600  }
0x23: {  	[hbm4b:s5+s3] =	stream.linear.scatter [tilespmem:s10], [sflag:$0x2], $0xFA00, $0x38;
	[tilespmem:$0x101D0] =	vst v63  }
0x24: {  	s14 =	simm.s32 $0xFA;
	s16 =	simm.s32 $0x1F4;
	_ =	swait.ge [sflag:s9], $0xFA00  }
0x25: {  	s15 =	sadd.s32 $0x1F40, s6;
	s13 =	sadd.s32 $0x1F40, s5;
	[sflag:s9] =	ssyncset.done $0x0  }
.LBB2_2:
0x26: {  	s17 =	sadd.s32 s14, s8  }
0x27: {  	[sflag:s9] =	ssyncadd.s32 $0xFFFF0600;
	s18 =	smov.u32 s16;
	s19 =	sadd.s32 $0xFA, s16  }
0x28: {  	[tilespmem:s3], [sflag:$0x2] =	stream.linear.gather [hbm4b:s17+s3], $0x7D0, $0x38;
	[tilespmem:$0x101D0] =	vst v63  }
0x29: {  	p0 =	sne.s32 s16, $0x1770;
	_ =	swait.ge [sflag:s9], $0x7D0  }
0x2a: {  	[sflag:s9] =	ssyncset.done $0x0  }
0x2b: {  	[sflag:s9] =	ssyncadd.s32 $0xFFFFF830  }
0x2c: {  	[tilespmem:s10], [sflag:$0x1] =	stream.indirect.gather [hbm4b:s1+s10], $0x20, s3, s10, $0xb8;
	[tilespmem:$0x101D0] =	vst v63  }
0x2d: {  	_ =	swait.ge [sflag:s11], $0xFA00  }
0x2e: {  	[sflag:s11] =	ssyncset.done $0x0  }
0x2f: {  	[sflag:s11] =	ssyncadd.s32 $0xFFFF0600  }
0x30: {  	[hbm4b:s15+s3] =	stream.linear.scatter [tilespmem:s10], [sflag:$0x2], $0xFA00, $0x38;
	[tilespmem:$0x101D0] =	vst v63  }
0x31: {  	_ =	swait.ge [sflag:s9], $0xFA00  }
0x32: {  	[sflag:s9] =	ssyncset.done $0x0  }
0x33: {  	s16 =	sadd.s32 s14, s7;
	s14 =	smov.u32 s18;
	[sflag:s9] =	ssyncadd.s32 $0xFFFF0600  }
0x34: {  	[tilespmem:s3], [sflag:$0x2] =	stream.linear.gather [hbm4b:s16+s3], $0x7D0, $0x38;
	[tilespmem:$0x101D0] =	vst v63  }
0x35: {  	_ =	swait.ge [sflag:s9], $0x7D0  }
0x36: {  	[sflag:s9] =	ssyncset.done $0x0  }
0x37: {  	[sflag:s9] =	ssyncadd.s32 $0xFFFFF830  }
0x38: {  	[tilespmem:s10], [sflag:$0x1] =	stream.indirect.gather [hbm4b:s1+s10], $0x20, s3, s10, $0xb8;
	[tilespmem:$0x101D0] =	vst v63  }
0x39: {  	_ =	swait.ge [sflag:s11], $0xFA00  }
.Ltmp0:
0x3a: {  	[sflag:s11] =	ssyncset.done $0x0;
	(pc) =	sbr.rel @p0 .LBB2_2-.Ltmp0, $4  }
0x3b: {  	[sflag:s11] =	ssyncadd.s32 $0xFFFF0600  }
0x3c: {  	[hbm4b:s13+s3] =	stream.linear.scatter [tilespmem:s10], [sflag:$0x2], $0xFA00, $0x38;
	[tilespmem:$0x101D0] =	vst v63  }
0x3d: {  	s15 =	sadd.s32 $0x1F40, s15;
	_ =	swait.ge [sflag:s9], $0xFA00  }
0x3e: {  	s16 =	smov.u32 s19;
	s13 =	sadd.s32 $0x1F40, s13;
	[sflag:s9] =	ssyncset.done $0x0  }
0x3f: {  	s16 =	sadd.s32 s14, s8;
	[sflag:s9] =	ssyncadd.s32 $0xFFFF0600  }
0x40: {  	[tilespmem:s3], [sflag:$0x2] =	stream.linear.gather [hbm4b:s16+s3], $0x7D0, $0x38;
	[tilespmem:$0x101D0] =	vst v63  }
0x41: {  	_ =	swait.ge [sflag:s9], $0x7D0  }
0x42: {  	[sflag:s9] =	ssyncset.done $0x0  }
0x43: {  	[sflag:s9] =	ssyncadd.s32 $0xFFFFF830  }
0x44: {  	[tilespmem:s10], [sflag:$0x1] =	stream.indirect.gather [hbm4b:s1+s10], $0x20, s3, s10, $0xb8;
	[tilespmem:$0x101D0] =	vst v63  }
0x45: {  	_ =	swait.ge [sflag:s11], $0xFA00  }
0x46: {  	[sflag:s11] =	ssyncset.done $0x0  }
0x47: {  	[sflag:s11] =	ssyncadd.s32 $0xFFFF0600  }
0x48: {  	[hbm4b:s15+s3] =	stream.linear.scatter [tilespmem:s10], [sflag:$0x2], $0xFA00, $0x38;
	[tilespmem:$0x101D0] =	vst v63  }
0x49: {  	_ =	swait.ge [sflag:s9], $0xFA00  }
0x4a: {  	[sflag:s9] =	ssyncset.done $0x0  }
0x4b: {  	s31 =	sadd.s32 s14, s7;
	[sflag:s9] =	ssyncadd.s32 $0xFFFF0600  }
0x4c: {  	[tilespmem:s3], [sflag:$0x2] =	stream.linear.gather [hbm4b:s31+s3], $0x7D0, $0x38;
	[tilespmem:$0x101D0] =	vst v63  }
0x4d: {  	_ =	swait.ge [sflag:s9], $0x7D0  }
0x4e: {  	[sflag:s9] =	ssyncset.done $0x0  }
0x4f: {  	[sflag:s9] =	ssyncadd.s32 $0xFFFFF830  }
0x50: {  	[tilespmem:s10], [sflag:$0x1] =	stream.indirect.gather [hbm4b:s1+s10], $0x20, s3, s10, $0xb8;
	[tilespmem:$0x101D0] =	vst v63  }
0x51: {  	s12 =	sadd.s32 $0x1, s12;
	_ =	swait.ge [sflag:s11], $0xFA00  }
0x52: {  	p0 =	sne.s32 s12, s4;
	[sflag:s11] =	ssyncset.done $0x0  }
.Ltmp1:
0x53: {  	[sflag:s11] =	ssyncadd.s32 $0xFFFF0600;
	(pc) =	sbr.rel @p0 .LBB2_1-.Ltmp1, $4  }
0x54: {  	[hbm4b:s13+s3] =	stream.linear.scatter [tilespmem:s10], [sflag:$0x2], $0xFA00, $0x38;
	[tilespmem:$0x101D0] =	vst v63  }
0x55: {  	_ =	swait.ge [sflag:s9], $0xFA00  }
0x56: {  	[sflag:s9] =	ssyncset.done $0x0  }
0x57: {  	[sflag:s9] =	ssyncadd.s32 $0xFFFF0600  }
0x58: {  	_ =	sfence.sel $0x180000  }
0x59: {  	[bflag:$0x0] =	sbarrier.arrive $0xFFFF  }
0x5a: {  	p0 =	sne.s32 s0, $0x0;
	_ =	strace $0x90000047  }
0x5b: {  	s0 =	sadd.s32 @!p0 $0x100000, s2;
	[bflag:$0x2] =	sbarrier.arrive $0xFFFF  }
0x5c: {  	[sflag:s0] =	ssyncadd.tile.s32 @!p0 $0x1;
	_ =	shalt  }
.Lfunc_end2:
_tile_overlayer_lowered:
.L_overlay_start_2:
0x5d: {  	(tag) =	ssettag $0x2  }
0x5e: {  	s0 =	rddreg [dreg:$0x0];
	s2 =	stileid.u32  }
0x5f: {  	s1 =	rddreg [dreg:$0x1];
	p0 =	sne.s32 s2, $0x0  }
0x60: {  	s3 =	rddreg [dreg:$0x2];
	[bflag:$0x3] =	sbarrier.arrive $0xFFFF;
	s2 =	simm.s32 @!p0 $0x1C02  }
0x61: {  	[timem:s3], [sflag:s2] =	dma.local @!p0 [hbm:s0], s1  }
0x62: {  	s0 =	simm.s32 @!p0 $0x2  }
0x63: {  	_ =	swait.ge @!p0 [sflag:s0], s1  }
0x64: {  	s1 =	ssub.s32 @!p0 $0x0, s1;
	[sflag:s0] =	ssyncset.done @!p0 $0x0  }
0x65: {  	[sflag:s0] =	ssyncadd.s32 @!p0 s1  }
0x66: {  	[bflag:$0x3] =	sbarrier.arrive $0xFFFF  }
0x67: {  	_ =	shalt  }

// kernel: sparse-core-data-format-call.cloned.1.call-start
scs
called_computation_lowered:
.L_overlay_start_0:
0x0: {  	s2 =	sld [smem:$0x3FD9]  }
0x1: {  	s3 =	sld [smem:$0x3FFE];
	_ =	sdelay $0x1  }
0x2: {  	s1 =	srdreg.scid  }
0x3: {  	s0 =	sand.u32 $0x1, s1  }
0x4: {  	s16 =	sshll.u32 s0, $0xA;
	s2 =	sadd.s32 s3, s2  }
0x5: {  	s2 =	sadd.s32 s2, s16  }
0x6: {  	[smem:$0x3FB1] =	sst s2  }
0x7: {  	_ = 	snop  }
0x8: {  	s2 =	sld [smem:$0x3FD0];
	_ =	sdelay $0x2  }
0x9: {  	s17 =	simm.s32 $0xB;
	s4 =	simm.s32 $0x10  }
0xa: {  	[smem:s4], [sflag:s17] =	dma.local [hbm:s2], $0x1  }
0xb: {  	_ =	swait.eq [sflag:s17], $0x1  }
0xc: {  	[sflag:s17] =	ssyncset.done $0x0  }
0xd: {  	[sflag:s17] =	ssyncadd.s32 $0xFFFFFFFF  }
0xe: {  	s18 =	sld [smem:$0x10];
	(tm) =	ssettm $0x1  }
0xf: {  	s19 =	sld [smem:$0x3FFB];
	_ =	sdelay $0x3  }
0x10: {  	_ =	strace s19  }
0x11: {  	s2 =	sld [smem:$0x3FFC];
	_ =	sdelay $0x3  }
0x12: {  	_ =	strace s2  }
0x13: {  	s2 =	sld [smem:$0x3FFD];
	_ =	sdelay $0x3  }
0x14: {  	_ =	strace s2  }
0x15: {  	_ =	strace $0x8FFFFFFF  }
0x16: {  	s20 =	sld [smem:$0x3FDB];
	_ =	sdelay $0x1  }
0x17: {  	s21 =	simm.s32 $_scs_section_size  }
0x18: {  	s5 =	simm.s32 $_size__tile_overlayer_lowered;
	s6 =	simm.s32 $_tile_overlayer_lowered  }
0x19: {  	s7 =	simm.s32 $0x1BFF;
	s22 =	sshll.u32 s6, $0x1;
	s4 =	sadd.s32 s21, s20  }
0x1a: {  	s23 =	simm.s32 $0x0;
	s5 =	sshll.u32 s5, $0x1;
	s6 =	sadd.s32 s22, s4  }
0x1b: {  	[timem:s23], [sflag:s7] =	dma.local [hbm:s6], s5  }
0x1c: {  	_ =	swait.ge [sflag:s7], s5  }
0x1d: {  	s5 =	ssub.s32 $0x0, s5;
	[sflag:s7] =	ssyncset.done $0x0  }
0x1e: {  	[sflag:s7] =	ssyncadd.s32 s5;
	_ =	sdelay $0x1  }
0x1f: {  	s24 =	simm.s32 $0x1B8B  }
0x20: {  	_ =	swait.ge [sflag:s24], $0x1  }
0x21: {  	[sflag:s24] =	ssyncset.done $0x0  }
0x22: {  	[sflag:s24] =	ssyncadd.s32 $0xFFFFFFFF  }
0x23: {  	s5 =	sld [smem:$0x0]  }
0x24: {  	s6 =	sand.u32 $0xFFFFFFFE, s1  }
0x25: {  	p0 =	sne.s32 s1, s6  }
0x26: {  	s6 =	sshll.u32 @p0 s6, $0xE  }
0x27: {  	s6 =	sadd.s32 @p0 $0x11B8D, s6;
	s7 =	sshll.u32 @p0 s5, $0x11  }
0x28: {  	s6 =	sor.u32 @p0 s7, s6  }
0x29: {  	[sflag:s6] =	ssyncadd.remote.s32 @p0 $0x1;
	_ =	sdelay $0x1  }
0x2a: {  	s6 =	simm.s32 @p0 $0x1B8D  }
0x2b: {  	_ =	swait.eq @p0 [sflag:s6], $0x1  }
0x2c: {  	[sflag:s6] =	ssyncadd.s32 @p0 $0xFFFFFFFF  }
0x2d: {  	s7 =	sshll.u32 @!p0 s1, $0xE  }
0x2e: {  	s7 =	sor.u32 @!p0 $0x4000, s7;
	s6 =	simm.s32 @!p0 $0x1B8D  }
0x2f: {  	s5 =	sshll.u32 @!p0 s5, $0x11;
	s7 =	sadd.s32 @!p0 $0x11B8D, s7;
	_ =	swait.eq @!p0 [sflag:s6], $0x1  }
0x30: {  	s5 =	sor.u32 @!p0 s5, s7;
	[sflag:s6] =	ssyncadd.s32 @!p0 $0xFFFFFFFF  }
0x31: {  	s26 =	simm.s32 $0x1B8E;
	s25 =	sld [smem:$0x3FFE];
	[sflag:s5] =	ssyncadd.remote.s32 @!p0 $0x1  }
0x32: {  	s27 =	simm.s32 $execute0_lowered;
	[smem:$0x3FD2] =	sst s26  }
0x33: {  	s6 =	sshll.u32 s27, $0x1;
	_ =	strace $0x8000004C;
	[dreg:$0x1] =	wrdreg $0xFFFFFFFF  }
0x34: {  	s28 =	simm.s32 $_size_execute0_lowered;
	s4 =	sadd.s32 s4, s6;
	[dreg:$0x0] =	wrdreg $0x0  }
0x35: {  	s6 =	sshll.u32 s28, $0x1;
	[dreg:$0x2] =	wrdreg s4  }
0x36: {  	[dreg:$0x3] =	wrdreg s6  }
0x37: {  	[dreg:$0x4] =	wrdreg $0xC0  }
0x38: {  	_ =	task [dreg:s23], $0x5FFFF  }
0x39: {  	[dreg:$0x1] =	wrdreg $0xFFFFFFFF  }
0x3a: {  	[dreg:$0x0] =	wrdreg $0x60  }
0x3b: {  	[dreg:$0x2] =	wrdreg s25  }
0x3c: {  	[dreg:$0x3] =	wrdreg s18  }
0x3d: {  	[dreg:$0x4] =	wrdreg $0x9  }
0x3e: {  	_ =	task.clear_ibuf [dreg:s23], $0x5FFFF;
	_ =	strace $0x9000004C  }
0x3f: {  	s29 =	simm.s32 $0x9;
	_ =	strace $0x8000004E  }
0x40: {  	_ =	swait.ge [sflag:s29], $0x1  }
0x41: {  	[sflag:s29] =	ssyncadd.s32 $0xFFFFFFFF  }
0x42: {  	_ =	strace $0x9000004E  }
0x43: {  	_ =	sfence  }
0x44: {  	s30 =	sld [smem:$0x0];
	_ =	sdelay $0x2  }
0x45: {  	s31 =	sshll.u32 s1, $0xD;
	s1 =	sshrl.u32 s1, $0x2  }
0x46: {  	s4 =	sand.u32 $0x4000, s31;
	s1 =	sadd.s32 s1, s30  }
0x47: {  	s0 =	sor.u32 s4, s0;
	s1 =	sshll.u32 s1, $0x11  }
0x48: {  	s0 =	sor.u32 s1, s0  }
0x49: {  	s0 =	sadd.s32 $0x8F2B, s0  }
0x4a: {  	[sflag:s0] =	ssyncadd.remote.s32 $0x1  }
0x4b: {  	_ =	sfence.sel $0xFFFF  }
0x4c: {  	[dreg:$0x0] =	wrdreg $0xFFFFFFFF;
	(pc) =	sbr.abs _section_cstart, $3  }
0x4d: {  	[dreg:$0x1] =	wrdreg $0xFFFFFFFF  }
0x4e: {  	_ =	task.clear_ibuf [dreg:s23], $0x2FFFF;
	_ =	strace $0x9FFFFFFF  }
0x4f: {  	(tm) =	ssettm $0x7FFFFFFF  }
tec
execute0_lowered:
.L_overlay_start_1:
0x0: {  	(tag) =	ssettag $0x1  }
0x1: {  	s0 =	srdreg.scid  }
0x2: {  	s1 =	sshll.u32 s0, $0x4  }
0x3: {  	s4 =	rddreg [dreg:$0x0];
	s0 =	stileid.u32;
	s1 =	sand.u32 $0x10, s1  }
0x4: {  	s2 =	rddreg [dreg:$0x1];
	s7 =	simm.s32 $0x1;
	s1 =	sor.u32 s0, s1  }
0x5: {  	s8 =	simm.s32 $0x2;
	s11 =	simm.s32 $0x0;
	s3 =	sshll.u32 s1, $0x7  }
0x6: {  	s10 =	simm.s32 $0x0;
	s4 =	sadd.s32 $0x13DAC00, s4;
	s6 =	ssub.s32 $0x186A00, s3  }
.Ltmp0:
0x7: {  	s1 =	rddreg [dreg:$0x2];
	s5 =	sand.u32 $0xF80, s6;
	(pc) =	sbr.rel .LBB1_1-.Ltmp0, $4  }
0x8: {  	_ =	strace $0x8000004D;
	s9 =	smov.u32 s3;
	p0 =	sne.s32 s5, $0x0  }
0x9: {  	s6 =	sshrl.u32 s6, $0xC;
	s5 =	simm.s32 $0x1;
	s7 =	simm.s32 @!p0 $0x0  }
0xa: {  	[sflag:s5] =	ssyncpa.u1 $0x0;
	p0 =	por $0x0, $0x0;
	s6 =	sadd.s32 s7, s6  }
0xb: {  	[sflag:s8] =	ssyncpa.u1 $0x0;
	s8 =	simm.s32 $0xC35000;
	s7 =	sadd.s32 $0x1, s6  }
.LBB1_4:
0xc: {  	s14 =	sshll.u32 s11, $0x3  }
0xd: {  	s14 =	sand.u32 $0xFFFFFC00, s14  }
0xe: {  	s15 =	sshrl.u32 s14, $0x9  }
0xf: {  	s15 =	smulhi.u32 $0xA7C5AD, s15;
	_ =	sdelay $0x1  }
0x10: {  	s15 =	sshrl.u32 s15, $0x3  }
0x11: {  	s28 =	sand.u32 $0x7F, s11;
	s16 =	smul.u32 $0x186A00, s15  }
0x12: {  	s11 =	sor.u32 s28, s14  }
0x13: {  	s29 =	sand.u32 $0x1F, s15;
	s11 =	ssub.s32 s11, s16  }
0x14: {  	s14 =	smul.u32 $0x30D40, s29;
	s30 =	sshrl.u32 s11, $0x3;
	s11 =	sand.u32 $0x7, s11  }
0x15: {  	s15 =	sadd.s32 s2, s30;
	s11 =	sshll.u32 s11, $0x12  }
0x16: {  	[tilespmem:s13+$0x0 ss:$0x81] =	vst.msk $0xffff, v0;
	s31 =	sadd.s32 s14, s15;
	s11 =	sor.u32 $0x400, s11  }
0x17: {  	[hbm4b:s31+s11] =	stream.strided.scatter [tilespmem:s12], [sflag:$0x2], $0x1000, s8, s11, $0x20;
	[tilespmem:$0x4040] =	vst v63  }
.LBB1_5:
0x18: {  	s13 =	sadd.s32 $0x1000, s9  }
0x19: {  	p2 =	sgt.s32 s13, $0x1869FF  }
0x1a: {  	s13 =	smov.u32 @p2 s3;
	p2 =	sne.s32 s10, s7  }
.Ltmp1:
0x1b: {  	p1 =	slt.u32 s10, $0x2;
	(pc) =	sbr.rel @!p2 .LBB1_6-.Ltmp1, $4  }
0x1c: {  	s12 =	simm.s32 @!p1 $0x2  }
0x1d: {  	s14 =	sadd.s32 $0x1, s10;
	_ =	swait.ge @!p1 [sflag:s12], $0x1000  }
0x1e: {  	s11 =	smov.u32 s9;
	p0 =	por !p0, !p0;
	[sflag:s12] =	ssyncset.done @!p1 $0x0  }
0x1f: {  	s10 =	smov.u32 s14;
	s9 =	smov.u32 s13;
	[sflag:s12] =	ssyncadd.s32 @!p1 $0xFFFFF000  }
.LBB1_1:
0x20: {  	p1 =	sge.u32 s10, s6  }
0x21: {  	s12 =	sand.u32 @!p1 $0x1FFFFFF, s9  }
0x22: {  	s13 =	smulhi.u32 @!p1 $0x14F8B59, s12;
	_ =	sdelay $0x1  }
0x23: {  	s13 =	sshrl.u32 @!p1 s13, $0xD  }
0x24: {  	s13 =	smul.u32 @!p1 $0x186A00, s13;
	_ =	sdelay $0x1  }
0x25: {  	s31 =	sadd.s32 $0xFFFFFFFF, s10;
	s14 =	sxor.u32 @!p1 $0xFFFFFFFF, s10;
	s12 =	ssub.s32 @!p1 s12, s13  }
0x26: {  	s15 =	simm.s32 @!p1 $0x80;
	s14 =	sshll.u32 @!p1 s14, $0xC;
	s12 =	sshll.u32 @!p1 s12, $0x4  }
0x27: {  	s13 =	sand.u32 @!p1 $0x1000, s14;
	s14 =	simm.s32 @!p1 $0x20;
	s12 =	sadd.s32 @!p1 s4, s12  }
0x28: {  	[tilespmem:s13], [sflag:$0x1] =	stream.strided.gather @!p1 [hbm4b:s12+s14], $0x1000, s15, s14, $0x38;
	[tilespmem:$0x4040] =	vst v63  }
0x29: {  	p1 =	sge.u32 s31, s6  }
.Ltmp2:
0x2a: {  	_ = 	snop;
	(pc) =	sbr.rel @p1 .LBB1_5-.Ltmp2, $1  }
0x2b: {  	_ =	sdelay $0x3  }
0x2c: {  	s12 =	simm.s32 $0x1  }
0x2d: {  	_ =	swait.ge [sflag:s5], $0x1000;
	s12 =	simm.s32 @!p0 $0x0  }
0x2e: {  	[sflag:s5] =	ssyncset.done $0x0;
	s13 =	sshll.u32 s12, $0xC  }
0x2f: {  	[sflag:s5] =	ssyncadd.s32 $0xFFFFF000;
	s16 =	sor.u32 $0x10, s13  }
0x30: {  	s12 =	smul.u32 $0x4080, s12;
	v1 =	vld [tilespmem:s16+$0x0]  }
0x31: {  	s30 =	sand.u32 $0x1, s10;
	v0 =	vld [tilespmem:s16+$0xFFFFFFF0]  }
0x32: {  	s13 =	smul.u32 $0x4080, s30;
	s12 =	sshrl.u32 s12, $0x2  }
0x33: {  	s14 =	sor.u32 $0x2000, s12  }
0x34: {  	s31 =	sshrl.u32 s13, $0x2;
	s13 =	sadd.s32 $0x0, s14  }
0x35: {  	s15 =	simm.s32 $0x4;
	s16 =	sadd.s32 $0x20, s16;
	s12 =	sor.u32 $0x2000, s31;
	[tilespmem:s13+$0x810 ss:$0x81] =	vst.msk $0xffff, v1  }
.LBB1_3:
0x36: {  	v1 =	vld [tilespmem:s16+$0x0];
	p1 =	sne.s32 s15, $0x1FC;
	[tilespmem:s13+$0x0 ss:$0x81] =	vst.msk $0xffff, v0;
	s13 =	smov.u32 s15;
	s15 =	sadd.s32 $0x4, s15  }
.Ltmp3:
0x37: {  	v0 =	vld [tilespmem:s16+$0xFFFFFFF0];
	(pc) =	sbr.rel @p1 .LBB1_3-.Ltmp3, $4  }
0x38: {  	_ = 	snop  }
0x39: {  	s13 =	sshra.s32 s13, $0x2  }
0x3a: {  	s13 =	sadd.s32 s13, s14  }
0x3b: {  	s16 =	sadd.s32 $0x20, s16;
	[tilespmem:s13+$0x810 ss:$0x81] =	vst.msk $0xffff, v1  }
.Ltmp4:
0x3c: {  	_ = 	snop;
	(pc) =	sbr.rel .LBB1_4-.Ltmp4, $1  }
0x3d: {  	_ =	sdelay $0x3  }
.LBB1_6:
0x3e: {  	_ =	sfence.sel $0x180000  }
0x3f: {  	s2 =	simm.s32 $0x1;
	[bflag:$0x0] =	sbarrier.arrive $0xFFFF  }
0x40: {  	s31 =	simm.s32 $0x2;
	[sflag:s2] =	ssyncpa.u1 $0x1  }
0x41: {  	[sflag:s31] =	ssyncpa.u1 $0x1  }
0x42: {  	p0 =	sne.s32 s0, $0x0;
	_ =	strace $0x9000004D  }
0x43: {  	s0 =	sadd.s32 @!p0 $0x100000, s1;
	[bflag:$0x2] =	sbarrier.arrive $0xFFFF  }
0x44: {  	[sflag:s0] =	ssyncadd.tile.s32 @!p0 $0x1;
	_ =	shalt  }
.Lfunc_end1:
_tile_overlayer_lowered:
.L_overlay_start_2:
0x45: {  	(tag) =	ssettag $0x2  }
0x46: {  	s0 =	rddreg [dreg:$0x0];
	s2 =	stileid.u32  }
0x47: {  	s1 =	rddreg [dreg:$0x1];
	p0 =	sne.s32 s2, $0x0  }
0x48: {  	s3 =	rddreg [dreg:$0x2];
	[bflag:$0x3] =	sbarrier.arrive $0xFFFF;
	s2 =	simm.s32 @!p0 $0x1C01  }
0x49: {  	[timem:s3], [sflag:s2] =	dma.local @!p0 [hbm:s0], s1  }
0x4a: {  	s0 =	simm.s32 @!p0 $0x1  }
0x4b: {  	_ =	swait.ge @!p0 [sflag:s0], s1  }
0x4c: {  	s1 =	ssub.s32 @!p0 $0x0, s1;
	[sflag:s0] =	ssyncset.done @!p0 $0x0  }
0x4d: {  	[sflag:s0] =	ssyncadd.s32 @!p0 s1  }
0x4e: {  	[bflag:$0x3] =	sbarrier.arrive $0xFFFF  }
0x4f: {  	_ =	shalt  }

</sc_bundles>
